<compile_context>
chip_gen: v7x
topology: tpu7x:2x2x1
jax: 0.10.2.dev20260603
libtpu: 0.0.44.dev20260713+nightly
codegen_flags: <defaults>
</compile_context>

<pallas_src>
import functools

import jax
import jax.numpy as jnp
from jax import lax
from jax.experimental import pallas as pl
from jax.experimental.pallas import tpu as pltpu
from jax.experimental.pallas import tpu_sc as plsc

NUM_CORES = 2
NUM_SUBCORES = 16
NUM_WORKERS = NUM_CORES * NUM_SUBCORES

B = 4096
H = 200
D = 64
V = 1000000
BW = B // NUM_WORKERS
HT, HS = 25, 8
DT, DS = 8, 8
NBUF = 4


def _sc_body(idx_hbm, table_hbm, g_hbm, idx_v, rows_v, *sems):
    gsem = sems[0:NBUF]
    ssem = sems[NBUF:2 * NBUF]

    c = lax.axis_index("c")
    s = lax.axis_index("s")
    wid = s * NUM_CORES + c

    def gather_issue(ht, hs, b):
        pltpu.async_copy(table_hbm.at[idx_v.at[ht, hs]], rows_v.at[b], gsem[b])

    def gather_wait(ht, hs, b):
        pltpu.make_async_copy(table_hbm.at[idx_v.at[ht, hs]], rows_v.at[b],
                              gsem[b]).wait()

    def store_issue(h, b):
        pltpu.async_copy(rows_v.at[b], g_hbm.at[h * NUM_WORKERS + wid],
                         ssem[b])

    def store_wait(h, b):
        pltpu.make_async_copy(rows_v.at[b], g_hbm.at[h * NUM_WORKERS + wid],
                              ssem[b]).wait()

    pltpu.sync_copy(idx_hbm.at[:, wid], idx_v)

    gather_issue(0, 0, 0)

    def group(ht, carry):
        for hs in range(HS):
            h = ht * HS + hs
            b = hs % NBUF
            bn = (hs + 1) % NBUF

            @pl.when(h + 1 < H)
            def _():
                @pl.when(h >= NBUF - 1)
                def _():
                    store_wait(h + 1 - NBUF, bn)
                gather_issue(ht + (hs + 1) // HS, (hs + 1) % HS, bn)

            gather_wait(ht, hs, b)
            store_issue(h, b)
        return carry

    lax.fori_loop(0, HT, group, 0)

    for j in range(H - NBUF, H):
        store_wait(j, j % NBUF)


@jax.jit
def _sc_gather(idxh4, table2):
    mesh = plsc.VectorSubcoreMesh(core_axis_name="c", subcore_axis_name="s")
    kern = pl.kernel(
        _sc_body,
        out_type=jax.ShapeDtypeStruct((H * NUM_WORKERS, BW, 2 * D),
                                      jnp.float32),
        mesh=mesh,
        scratch_types=[
            pltpu.VMEM((HT, HS, BW), jnp.int32),
            pltpu.VMEM((NBUF, BW, 2 * D), jnp.float32),
        ] + [pltpu.SemaphoreType.DMA] * (2 * NBUF),
        compiler_params=pltpu.CompilerParams(
            use_tc_tiling_on_sc=False, needs_layout_passes=False),
    )
    return kern(idxh4, table2)


def _tc_body(feat_ref, g_ref, par_ref, out_ref):
    g = g_ref[...]
    gt = jnp.swapaxes(g, 1, 2)
    par = par_ref[0]
    parb = jnp.broadcast_to(par[:, None, :], (NUM_WORKERS, D, BW))
    gsel = jnp.where(parb == 1, gt[:, D:, :], gt[:, :D, :])
    gsel = gsel.reshape(NUM_WORKERS, DT, DS, BW)
    gsel = jnp.transpose(gsel, (1, 0, 2, 3))
    out_ref[0] = feat_ref[0] + gsel


@jax.jit
def _tc_add(feat5, g, par4):
    return pl.pallas_call(
        _tc_body,
        grid=(H,),
        in_specs=[
            pl.BlockSpec((1, DT, NUM_WORKERS, DS, BW),
                         lambda i: (i, 0, 0, 0, 0)),
            pl.BlockSpec((NUM_WORKERS, BW, 2 * D), lambda i: (i, 0, 0)),
            pl.BlockSpec((1, NUM_WORKERS, BW), lambda i: (i, 0, 0)),
        ],
        out_specs=pl.BlockSpec((1, DT, NUM_WORKERS, DS, BW),
                               lambda i: (i, 0, 0, 0, 0)),
        out_shape=jax.ShapeDtypeStruct((H, DT, NUM_WORKERS, DS, BW),
                                       jnp.float32),
    )(feat5, g, par4)


def kernel(features, indices, table):
    feat5 = features.reshape(NUM_WORKERS, BW, H, DT, DS).transpose(
        2, 3, 0, 4, 1)
    idx4 = indices.astype(jnp.int32).reshape(
        NUM_WORKERS, BW, HT, HS).transpose(2, 0, 3, 1)
    idxh4 = idx4 >> 1
    par4 = jnp.transpose(idx4 & 1, (0, 2, 1, 3)).reshape(
        H, NUM_WORKERS, BW)
    table2 = table.reshape(V // 2, 2 * D)
    g = _sc_gather(idxh4, table2)
    out5 = _tc_add(feat5, g, par4)
    return out5.transpose(2, 4, 0, 1, 3).reshape(B, H, D)

# --- scband reference (transcript-rebuilt; emitter-appended) ---
"""Pipeline reference for scband-position-embedding-53128745451546 (READ-ONLY COPY).

The authoritative reference and input builder live on the scoring server;
editing this copy changes nothing except your own understanding.
"""

import jax, jax.numpy as jnp
import numpy as np

NUM_EMBEDDINGS = 1000000
EMBEDDING_DIM = 64
BATCH = 4096
HIST = 200


def setup_inputs(seed: int = 0) -> dict:
    key = jax.random.key(seed)
    k1, k2, k3 = jax.random.split(key, 3)
    features = jax.random.normal(k1, (BATCH, HIST, EMBEDDING_DIM), dtype=jnp.float32)
    indices = jax.random.randint(k2, (BATCH, HIST), 0, NUM_EMBEDDINGS, dtype=jnp.int64 if jax.config.jax_enable_x64 else jnp.int32)
    # nn.Embedding default init: N(0, 1)
    table = jax.random.normal(k3, (NUM_EMBEDDINGS, EMBEDDING_DIM), dtype=jnp.float32)
    return {"features": features, "indices": indices, "table": table}


def reference(features, indices, table):
    # PositionEmbedding.forward with combine_method='add'
    embedded = jnp.take(table, indices, axis=0)
    return features + embedded

if __name__ == "__main__":
    import jax
    _d = setup_inputs()
    print(jax.jit(kernel)(*tuple(_d.values())))

</pallas_src>

<mosaic_0001>
#map = affine_map<(d0, d1) -> (0, 0, 0, 0)>
#map1 = affine_map<(d0, d1) -> (0, 0)>
#map2 = affine_map<(d0, d1) -> (0, 0, 0)>
module attributes {stable_mosaic.version = 14 : i64} {
  func.func @_sc_body(%arg0: i32, %arg1: i32, %arg2: memref<25x32x8x128xi32, #tpu.memory_space<hbm>>, %arg3: memref<500000x128xf32, #tpu.memory_space<hbm>>, %arg4: memref<6400x128x128xf32, #tpu.memory_space<hbm>>, %arg5: memref<25x8x128xi32, #tpu.memory_space<vmem>>, %arg6: memref<4x128x128xf32, #tpu.memory_space<vmem>>, %arg7: memref<!tpu.dma_semaphore, #tpu.memory_space<semaphore_mem>>, %arg8: memref<!tpu.dma_semaphore, #tpu.memory_space<semaphore_mem>>, %arg9: memref<!tpu.dma_semaphore, #tpu.memory_space<semaphore_mem>>, %arg10: memref<!tpu.dma_semaphore, #tpu.memory_space<semaphore_mem>>, %arg11: memref<!tpu.dma_semaphore, #tpu.memory_space<semaphore_mem>>, %arg12: memref<!tpu.dma_semaphore, #tpu.memory_space<semaphore_mem>>, %arg13: memref<!tpu.dma_semaphore, #tpu.memory_space<semaphore_mem>>, %arg14: memref<!tpu.dma_semaphore, #tpu.memory_space<semaphore_mem>>) attributes {dimension_semantics = [#tpu.dimension_semantics<core_parallel>, #tpu.dimension_semantics<subcore_parallel>], iteration_bounds = array<i64: 2, 16>, scalar_prefetch = 0 : i64, scratch_operands = 10 : i64, tpu.core_type = #tpu.core_type<sc_vector_subcore>, window_params = [{transform_indices = #map}, {transform_indices = #map1}, {transform_indices = #map2}]} {
    %mul3A = arith.constant 2 : i32
    %mul3A_0 = arith.muli %arg1, %mul3A : i32
    %add3A = arith.addi %mul3A_0, %arg0 : i32
    "tpu.region"() ({
      %run_scoped3A = tpu.sem_alloc : memref<!tpu.dma_semaphore, #tpu.memory_space<semaphore_mem>>
      %dma_start3A_93 = arith.constant 0 : i32
      %dma_start3A_94 = arith.constant 0 : i32
      %dma_start3A_95 = arith.constant 0 : i32
      %dma_start3A_96 = tpu.memref_slice %arg2[%dma_start3A_93, %add3A, %dma_start3A_94, %dma_start3A_95] : memref<25x32x8x128xi32, #tpu.memory_space<hbm>> -> memref<25x1x8x128xi32, #tpu.memory_space<hbm>>
      %dma_start3A_97 = tpu.memref_squeeze %dma_start3A_96 : memref<25x1x8x128xi32, #tpu.memory_space<hbm>> -> memref<25x8x128xi32, #tpu.memory_space<hbm>>
      %dma_start3A_98 = arith.constant 0 : i32
      %dma_start3A_99 = arith.constant 0 : i32
      %dma_start3A_100 = arith.constant 0 : i32
      %dma_start3A_101 = tpu.memref_slice %arg2[%dma_start3A_98, %add3A, %dma_start3A_99, %dma_start3A_100] : memref<25x32x8x128xi32, #tpu.memory_space<hbm>> -> memref<25x1x8x128xi32, #tpu.memory_space<hbm>>
      %dma_start3A_102 = tpu.memref_squeeze %dma_start3A_101 : memref<25x1x8x128xi32, #tpu.memory_space<hbm>> -> memref<25x8x128xi32, #tpu.memory_space<hbm>>
      tpu.enqueue_dma source(%dma_start3A_102 : memref<25x8x128xi32, #tpu.memory_space<hbm>>) target(%arg5 : memref<25x8x128xi32, #tpu.memory_space<vmem>>) target_semaphore(%run_scoped3A : memref<!tpu.dma_semaphore, #tpu.memory_space<semaphore_mem>>)
      %dma_wait3A_103 = arith.constant 0 : i32
      %dma_wait3A_104 = arith.constant 0 : i32
      %dma_wait3A_105 = arith.constant 0 : i32
      %dma_wait3A_106 = tpu.memref_slice %arg2[%dma_wait3A_103, %add3A, %dma_wait3A_104, %dma_wait3A_105] : memref<25x32x8x128xi32, #tpu.memory_space<hbm>> -> memref<25x1x8x128xi32, #tpu.memory_space<hbm>>
      %dma_wait3A_107 = tpu.memref_squeeze %dma_wait3A_106 : memref<25x1x8x128xi32, #tpu.memory_space<hbm>> -> memref<25x8x128xi32, #tpu.memory_space<hbm>>
      %dma_wait3A_108 = arith.constant 0 : i32
      %dma_wait3A_109 = arith.constant 0 : i32
      %dma_wait3A_110 = arith.constant 0 : i32
      %dma_wait3A_111 = tpu.memref_slice %arg2[%dma_wait3A_108, %add3A, %dma_wait3A_109, %dma_wait3A_110] : memref<25x32x8x128xi32, #tpu.memory_space<hbm>> -> memref<25x1x8x128xi32, #tpu.memory_space<hbm>>
      %dma_wait3A_112 = tpu.memref_squeeze %dma_wait3A_111 : memref<25x1x8x128xi32, #tpu.memory_space<hbm>> -> memref<25x8x128xi32, #tpu.memory_space<hbm>>
      tpu.wait_dma2 semaphore(%run_scoped3A : memref<!tpu.dma_semaphore, #tpu.memory_space<semaphore_mem>>) src(%dma_wait3A_112 : memref<25x8x128xi32, #tpu.memory_space<hbm>>) dst(%arg5 : memref<25x8x128xi32, #tpu.memory_space<vmem>>)
      tpu.yield
    }) : () -> ()
    %dma_start3A = arith.constant 0 : i32
    %dma_start3A_1 = arith.constant 0 : i32
    %dma_start3A_2 = arith.constant 0 : i32
    %dma_start3A_3 = arith.constant 0 : i32
    %dma_start3A_4 = arith.constant 0 : i32
    %dma_start3A_5 = tpu.memref_slice %arg6[%dma_start3A_2, %dma_start3A_3, %dma_start3A_4] : memref<4x128x128xf32, #tpu.memory_space<vmem>> -> memref<1x128x128xf32, #tpu.memory_space<vmem>>
    %dma_start3A_6 = tpu.memref_squeeze %dma_start3A_5 : memref<1x128x128xf32, #tpu.memory_space<vmem>> -> memref<128x128xf32, #tpu.memory_space<vmem>>
    %dma_start3A_7 = arith.constant 0 : i32
    %dma_start3A_8 = tpu.memref_slice %arg5[%dma_start3A, %dma_start3A_1, %dma_start3A_7] : memref<25x8x128xi32, #tpu.memory_space<vmem>> -> memref<1x1x128xi32, #tpu.memory_space<vmem>>
    %dma_start3A_9 = tpu.memref_squeeze %dma_start3A_8 : memref<1x1x128xi32, #tpu.memory_space<vmem>> -> memref<128xi32, #tpu.memory_space<vmem>>
    %dma_start3A_10 = arith.constant 0 : i32
    %dma_start3A_11 = arith.constant 0 : i32
    %dma_start3A_12 = tpu.memref_slice %arg3[%dma_start3A_10, %dma_start3A_11] : memref<500000x128xf32, #tpu.memory_space<hbm>> -> memref<500000x128xf32, #tpu.memory_space<hbm>>
    tpu.enqueue_indirect_dma source(%dma_start3A_12 : memref<500000x128xf32, #tpu.memory_space<hbm>>) target(%dma_start3A_6 : memref<128x128xf32, #tpu.memory_space<vmem>>) offsets(%dma_start3A_9 : memref<128xi32, #tpu.memory_space<vmem>>) semaphore(%arg7 : memref<!tpu.dma_semaphore, #tpu.memory_space<semaphore_mem>>)
    %scan3A = arith.constant 0 : i32
    %scan3A_13 = arith.constant 0 : i32
    %scan3A_14 = arith.constant 25 : i32
    %scan3A_15 = arith.addi %scan3A_13, %scan3A_14 : i32
    %scan3A_16 = arith.constant 1 : i32
    scf.for %scan3A_93 = %scan3A_13 to %scan3A_15 step %scan3A_16  : i32 {
      %mul3A_94 = arith.constant 8 : i32
      %mul3A_95 = arith.muli %scan3A_93, %mul3A_94 : i32
      %add3A_96 = arith.constant 0 : i32
      %add3A_97 = arith.addi %mul3A_95, %add3A_96 : i32
      %add3A_98 = arith.constant 1 : i32
      %add3A_99 = arith.addi %add3A_97, %add3A_98 : i32
      %lt3A = arith.constant 200 : i32
      %lt3A_100 = arith.cmpi slt, %add3A_99, %lt3A : i32
      %convert_element_type3A = arith.extui %lt3A_100 : i1 to i32
      %cond3A = arith.constant 0 : i32
      %cond3A_101 = arith.cmpi ne, %convert_element_type3A, %cond3A : i32
      scf.if %cond3A_101 {
        %ge3A = arith.constant 3 : i32
        %ge3A_435 = arith.cmpi sge, %add3A_97, %ge3A : i32
        %convert_element_type3A_436 = arith.extui %ge3A_435 : i1 to i32
        %cond3A_437 = arith.constant 0 : i32
        %cond3A_438 = arith.cmpi ne, %convert_element_type3A_436, %cond3A_437 : i32
        scf.if %cond3A_438 {
          %add3A_453 = arith.constant 1 : i32
          %add3A_454 = arith.addi %add3A_97, %add3A_453 : i32
          %sub3A = arith.constant 4 : i32
          %sub3A_455 = arith.subi %add3A_454, %sub3A : i32
          %mul3A_456 = arith.constant 32 : i32
          %mul3A_457 = arith.muli %sub3A_455, %mul3A_456 : i32
          %add3A_458 = arith.addi %mul3A_457, %add3A : i32
          %dma_wait3A_459 = arith.constant 1 : i32
          %dma_wait3A_460 = arith.constant 0 : i32
          %dma_wait3A_461 = arith.constant 0 : i32
          %dma_wait3A_462 = tpu.memref_slice %arg6[%dma_wait3A_459, %dma_wait3A_460, %dma_wait3A_461] : memref<4x128x128xf32, #tpu.memory_space<vmem>> -> memref<1x128x128xf32, #tpu.memory_space<vmem>>
          %dma_wait3A_463 = tpu.memref_squeeze %dma_wait3A_462 : memref<1x128x128xf32, #tpu.memory_space<vmem>> -> memref<128x128xf32, #tpu.memory_space<vmem>>
          %dma_wait3A_464 = arith.constant 0 : i32
          %dma_wait3A_465 = arith.constant 0 : i32
          %dma_wait3A_466 = tpu.memref_slice %arg4[%add3A_458, %dma_wait3A_464, %dma_wait3A_465] : memref<6400x128x128xf32, #tpu.memory_space<hbm>> -> memref<1x128x128xf32, #tpu.memory_space<hbm>>
          %dma_wait3A_467 = tpu.memref_squeeze %dma_wait3A_466 : memref<1x128x128xf32, #tpu.memory_space<hbm>> -> memref<128x128xf32, #tpu.memory_space<hbm>>
          %dma_wait3A_468 = arith.constant 0 : i32
          %dma_wait3A_469 = arith.constant 0 : i32
          %dma_wait3A_470 = tpu.memref_slice %arg4[%add3A_458, %dma_wait3A_468, %dma_wait3A_469] : memref<6400x128x128xf32, #tpu.memory_space<hbm>> -> memref<1x128x128xf32, #tpu.memory_space<hbm>>
          %dma_wait3A_471 = tpu.memref_squeeze %dma_wait3A_470 : memref<1x128x128xf32, #tpu.memory_space<hbm>> -> memref<128x128xf32, #tpu.memory_space<hbm>>
          %dma_wait3A_472 = arith.constant 0 : i32
          %dma_wait3A_473 = arith.constant 0 : i32
          %dma_wait3A_474 = tpu.memref_slice %arg6[%dma_wait3A_459, %dma_wait3A_472, %dma_wait3A_473] : memref<4x128x128xf32, #tpu.memory_space<vmem>> -> memref<1x128x128xf32, #tpu.memory_space<vmem>>
          %dma_wait3A_475 = tpu.memref_squeeze %dma_wait3A_474 : memref<1x128x128xf32, #tpu.memory_space<vmem>> -> memref<128x128xf32, #tpu.memory_space<vmem>>
          tpu.wait_dma2 semaphore(%arg12 : memref<!tpu.dma_semaphore, #tpu.memory_space<semaphore_mem>>) src(%dma_wait3A_475 : memref<128x128xf32, #tpu.memory_space<vmem>>) dst(%dma_wait3A_471 : memref<128x128xf32, #tpu.memory_space<hbm>>)
        } else {
        }
        %add3A_439 = arith.constant 0 : i32
        %add3A_440 = arith.addi %scan3A_93, %add3A_439 : i32
        %dma_start3A_441 = arith.constant 1 : i32
        %dma_start3A_442 = arith.constant 1 : i32
        %dma_start3A_443 = arith.constant 0 : i32
        %dma_start3A_444 = arith.constant 0 : i32
        %dma_start3A_445 = tpu.memref_slice %arg6[%dma_start3A_442, %dma_start3A_443, %dma_start3A_444] : memref<4x128x128xf32, #tpu.memory_space<vmem>> -> memref<1x128x128xf32, #tpu.memory_space<vmem>>
        %dma_start3A_446 = tpu.memref_squeeze %dma_start3A_445 : memref<1x128x128xf32, #tpu.memory_space<vmem>> -> memref<128x128xf32, #tpu.memory_space<vmem>>
        %dma_start3A_447 = arith.constant 0 : i32
        %dma_start3A_448 = tpu.memref_slice %arg5[%add3A_440, %dma_start3A_441, %dma_start3A_447] : memref<25x8x128xi32, #tpu.memory_space<vmem>> -> memref<1x1x128xi32, #tpu.memory_space<vmem>>
        %dma_start3A_449 = tpu.memref_squeeze %dma_start3A_448 : memref<1x1x128xi32, #tpu.memory_space<vmem>> -> memref<128xi32, #tpu.memory_space<vmem>>
        %dma_start3A_450 = arith.constant 0 : i32
        %dma_start3A_451 = arith.constant 0 : i32
        %dma_start3A_452 = tpu.memref_slice %arg3[%dma_start3A_450, %dma_start3A_451] : memref<500000x128xf32, #tpu.memory_space<hbm>> -> memref<500000x128xf32, #tpu.memory_space<hbm>>
        tpu.enqueue_indirect_dma source(%dma_start3A_452 : memref<500000x128xf32, #tpu.memory_space<hbm>>) target(%dma_start3A_446 : memref<128x128xf32, #tpu.memory_space<vmem>>) offsets(%dma_start3A_449 : memref<128xi32, #tpu.memory_space<vmem>>) semaphore(%arg8 : memref<!tpu.dma_semaphore, #tpu.memory_space<semaphore_mem>>)
      } else {
      }
      %dma_wait3A_102 = arith.constant 0 : i32
      %dma_wait3A_103 = arith.constant 0 : i32
      %dma_wait3A_104 = arith.constant 0 : i32
      %dma_wait3A_105 = arith.constant 0 : i32
      %dma_wait3A_106 = tpu.memref_slice %arg6[%dma_wait3A_103, %dma_wait3A_104, %dma_wait3A_105] : memref<4x128x128xf32, #tpu.memory_space<vmem>> -> memref<1x128x128xf32, #tpu.memory_space<vmem>>
      %dma_wait3A_107 = tpu.memref_squeeze %dma_wait3A_106 : memref<1x128x128xf32, #tpu.memory_space<vmem>> -> memref<128x128xf32, #tpu.memory_space<vmem>>
      %dma_wait3A_108 = arith.constant 0 : i32
      %dma_wait3A_109 = tpu.memref_slice %arg5[%scan3A_93, %dma_wait3A_102, %dma_wait3A_108] : memref<25x8x128xi32, #tpu.memory_space<vmem>> -> memref<1x1x128xi32, #tpu.memory_space<vmem>>
      %dma_wait3A_110 = tpu.memref_squeeze %dma_wait3A_109 : memref<1x1x128xi32, #tpu.memory_space<vmem>> -> memref<128xi32, #tpu.memory_space<vmem>>
      %dma_wait3A_111 = arith.constant 0 : i32
      %dma_wait3A_112 = arith.constant 0 : i32
      %dma_wait3A_113 = tpu.memref_slice %arg3[%dma_wait3A_111, %dma_wait3A_112] : memref<500000x128xf32, #tpu.memory_space<hbm>> -> memref<500000x128xf32, #tpu.memory_space<hbm>>
      tpu.wait_indirect_dma semaphore(%arg7 : memref<!tpu.dma_semaphore, #tpu.memory_space<semaphore_mem>>) src(%dma_wait3A_113 : memref<500000x128xf32, #tpu.memory_space<hbm>>) dst(%dma_wait3A_107 : memref<128x128xf32, #tpu.memory_space<vmem>>)
      %mul3A_114 = arith.constant 32 : i32
      %mul3A_115 = arith.muli %add3A_97, %mul3A_114 : i32
      %add3A_116 = arith.addi %mul3A_115, %add3A : i32
      %dma_start3A_117 = arith.constant 0 : i32
      %dma_start3A_118 = arith.constant 0 : i32
      %dma_start3A_119 = arith.constant 0 : i32
      %dma_start3A_120 = tpu.memref_slice %arg6[%dma_start3A_117, %dma_start3A_118, %dma_start3A_119] : memref<4x128x128xf32, #tpu.memory_space<vmem>> -> memref<1x128x128xf32, #tpu.memory_space<vmem>>
      %dma_start3A_121 = tpu.memref_squeeze %dma_start3A_120 : memref<1x128x128xf32, #tpu.memory_space<vmem>> -> memref<128x128xf32, #tpu.memory_space<vmem>>
      %dma_start3A_122 = arith.constant 0 : i32
      %dma_start3A_123 = arith.constant 0 : i32
      %dma_start3A_124 = tpu.memref_slice %arg4[%add3A_116, %dma_start3A_122, %dma_start3A_123] : memref<6400x128x128xf32, #tpu.memory_space<hbm>> -> memref<1x128x128xf32, #tpu.memory_space<hbm>>
      %dma_start3A_125 = tpu.memref_squeeze %dma_start3A_124 : memref<1x128x128xf32, #tpu.memory_space<hbm>> -> memref<128x128xf32, #tpu.memory_space<hbm>>
      %dma_start3A_126 = arith.constant 0 : i32
      %dma_start3A_127 = arith.constant 0 : i32
      %dma_start3A_128 = tpu.memref_slice %arg4[%add3A_116, %dma_start3A_126, %dma_start3A_127] : memref<6400x128x128xf32, #tpu.memory_space<hbm>> -> memref<1x128x128xf32, #tpu.memory_space<hbm>>
      %dma_start3A_129 = tpu.memref_squeeze %dma_start3A_128 : memref<1x128x128xf32, #tpu.memory_space<hbm>> -> memref<128x128xf32, #tpu.memory_space<hbm>>
      %dma_start3A_130 = arith.constant 0 : i32
      %dma_start3A_131 = arith.constant 0 : i32
      %dma_start3A_132 = tpu.memref_slice %arg6[%dma_start3A_117, %dma_start3A_130, %dma_start3A_131] : memref<4x128x128xf32, #tpu.memory_space<vmem>> -> memref<1x128x128xf32, #tpu.memory_space<vmem>>
      %dma_start3A_133 = tpu.memref_squeeze %dma_start3A_132 : memref<1x128x128xf32, #tpu.memory_space<vmem>> -> memref<128x128xf32, #tpu.memory_space<vmem>>
      tpu.enqueue_dma source(%dma_start3A_133 : memref<128x128xf32, #tpu.memory_space<vmem>>) target(%dma_start3A_129 : memref<128x128xf32, #tpu.memory_space<hbm>>) target_semaphore(%arg11 : memref<!tpu.dma_semaphore, #tpu.memory_space<semaphore_mem>>)
      %mul3A_134 = arith.constant 8 : i32
      %mul3A_135 = arith.muli %scan3A_93, %mul3A_134 : i32
      %add3A_136 = arith.constant 1 : i32
      %add3A_137 = arith.addi %mul3A_135, %add3A_136 : i32
      %add3A_138 = arith.constant 1 : i32
      %add3A_139 = arith.addi %add3A_137, %add3A_138 : i32
      %lt3A_140 = arith.constant 200 : i32
      %lt3A_141 = arith.cmpi slt, %add3A_139, %lt3A_140 : i32
      %convert_element_type3A_142 = arith.extui %lt3A_141 : i1 to i32
      %cond3A_143 = arith.constant 0 : i32
      %cond3A_144 = arith.cmpi ne, %convert_element_type3A_142, %cond3A_143 : i32
      scf.if %cond3A_144 {
        %ge3A = arith.constant 3 : i32
        %ge3A_435 = arith.cmpi sge, %add3A_137, %ge3A : i32
        %convert_element_type3A_436 = arith.extui %ge3A_435 : i1 to i32
        %cond3A_437 = arith.constant 0 : i32
        %cond3A_438 = arith.cmpi ne, %convert_element_type3A_436, %cond3A_437 : i32
        scf.if %cond3A_438 {
          %add3A_453 = arith.constant 1 : i32
          %add3A_454 = arith.addi %add3A_137, %add3A_453 : i32
          %sub3A = arith.constant 4 : i32
          %sub3A_455 = arith.subi %add3A_454, %sub3A : i32
          %mul3A_456 = arith.constant 32 : i32
          %mul3A_457 = arith.muli %sub3A_455, %mul3A_456 : i32
          %add3A_458 = arith.addi %mul3A_457, %add3A : i32
          %dma_wait3A_459 = arith.constant 2 : i32
          %dma_wait3A_460 = arith.constant 0 : i32
          %dma_wait3A_461 = arith.constant 0 : i32
          %dma_wait3A_462 = tpu.memref_slice %arg6[%dma_wait3A_459, %dma_wait3A_460, %dma_wait3A_461] : memref<4x128x128xf32, #tpu.memory_space<vmem>> -> memref<1x128x128xf32, #tpu.memory_space<vmem>>
          %dma_wait3A_463 = tpu.memref_squeeze %dma_wait3A_462 : memref<1x128x128xf32, #tpu.memory_space<vmem>> -> memref<128x128xf32, #tpu.memory_space<vmem>>
          %dma_wait3A_464 = arith.constant 0 : i32
          %dma_wait3A_465 = arith.constant 0 : i32
          %dma_wait3A_466 = tpu.memref_slice %arg4[%add3A_458, %dma_wait3A_464, %dma_wait3A_465] : memref<6400x128x128xf32, #tpu.memory_space<hbm>> -> memref<1x128x128xf32, #tpu.memory_space<hbm>>
          %dma_wait3A_467 = tpu.memref_squeeze %dma_wait3A_466 : memref<1x128x128xf32, #tpu.memory_space<hbm>> -> memref<128x128xf32, #tpu.memory_space<hbm>>
          %dma_wait3A_468 = arith.constant 0 : i32
          %dma_wait3A_469 = arith.constant 0 : i32
          %dma_wait3A_470 = tpu.memref_slice %arg4[%add3A_458, %dma_wait3A_468, %dma_wait3A_469] : memref<6400x128x128xf32, #tpu.memory_space<hbm>> -> memref<1x128x128xf32, #tpu.memory_space<hbm>>
          %dma_wait3A_471 = tpu.memref_squeeze %dma_wait3A_470 : memref<1x128x128xf32, #tpu.memory_space<hbm>> -> memref<128x128xf32, #tpu.memory_space<hbm>>
          %dma_wait3A_472 = arith.constant 0 : i32
          %dma_wait3A_473 = arith.constant 0 : i32
          %dma_wait3A_474 = tpu.memref_slice %arg6[%dma_wait3A_459, %dma_wait3A_472, %dma_wait3A_473] : memref<4x128x128xf32, #tpu.memory_space<vmem>> -> memref<1x128x128xf32, #tpu.memory_space<vmem>>
          %dma_wait3A_475 = tpu.memref_squeeze %dma_wait3A_474 : memref<1x128x128xf32, #tpu.memory_space<vmem>> -> memref<128x128xf32, #tpu.memory_space<vmem>>
          tpu.wait_dma2 semaphore(%arg13 : memref<!tpu.dma_semaphore, #tpu.memory_space<semaphore_mem>>) src(%dma_wait3A_475 : memref<128x128xf32, #tpu.memory_space<vmem>>) dst(%dma_wait3A_471 : memref<128x128xf32, #tpu.memory_space<hbm>>)
        } else {
        }
        %add3A_439 = arith.constant 0 : i32
        %add3A_440 = arith.addi %scan3A_93, %add3A_439 : i32
        %dma_start3A_441 = arith.constant 2 : i32
        %dma_start3A_442 = arith.constant 2 : i32
        %dma_start3A_443 = arith.constant 0 : i32
        %dma_start3A_444 = arith.constant 0 : i32
        %dma_start3A_445 = tpu.memref_slice %arg6[%dma_start3A_442, %dma_start3A_443, %dma_start3A_444] : memref<4x128x128xf32, #tpu.memory_space<vmem>> -> memref<1x128x128xf32, #tpu.memory_space<vmem>>
        %dma_start3A_446 = tpu.memref_squeeze %dma_start3A_445 : memref<1x128x128xf32, #tpu.memory_space<vmem>> -> memref<128x128xf32, #tpu.memory_space<vmem>>
        %dma_start3A_447 = arith.constant 0 : i32
        %dma_start3A_448 = tpu.memref_slice %arg5[%add3A_440, %dma_start3A_441, %dma_start3A_447] : memref<25x8x128xi32, #tpu.memory_space<vmem>> -> memref<1x1x128xi32, #tpu.memory_space<vmem>>
        %dma_start3A_449 = tpu.memref_squeeze %dma_start3A_448 : memref<1x1x128xi32, #tpu.memory_space<vmem>> -> memref<128xi32, #tpu.memory_space<vmem>>
        %dma_start3A_450 = arith.constant 0 : i32
        %dma_start3A_451 = arith.constant 0 : i32
        %dma_start3A_452 = tpu.memref_slice %arg3[%dma_start3A_450, %dma_start3A_451] : memref<500000x128xf32, #tpu.memory_space<hbm>> -> memref<500000x128xf32, #tpu.memory_space<hbm>>
        tpu.enqueue_indirect_dma source(%dma_start3A_452 : memref<500000x128xf32, #tpu.memory_space<hbm>>) target(%dma_start3A_446 : memref<128x128xf32, #tpu.memory_space<vmem>>) offsets(%dma_start3A_449 : memref<128xi32, #tpu.memory_space<vmem>>) semaphore(%arg9 : memref<!tpu.dma_semaphore, #tpu.memory_space<semaphore_mem>>)
      } else {
      }
      %dma_wait3A_145 = arith.constant 1 : i32
      %dma_wait3A_146 = arith.constant 1 : i32
      %dma_wait3A_147 = arith.constant 0 : i32
      %dma_wait3A_148 = arith.constant 0 : i32
      %dma_wait3A_149 = tpu.memref_slice %arg6[%dma_wait3A_146, %dma_wait3A_147, %dma_wait3A_148] : memref<4x128x128xf32, #tpu.memory_space<vmem>> -> memref<1x128x128xf32, #tpu.memory_space<vmem>>
      %dma_wait3A_150 = tpu.memref_squeeze %dma_wait3A_149 : memref<1x128x128xf32, #tpu.memory_space<vmem>> -> memref<128x128xf32, #tpu.memory_space<vmem>>
      %dma_wait3A_151 = arith.constant 0 : i32
      %dma_wait3A_152 = tpu.memref_slice %arg5[%scan3A_93, %dma_wait3A_145, %dma_wait3A_151] : memref<25x8x128xi32, #tpu.memory_space<vmem>> -> memref<1x1x128xi32, #tpu.memory_space<vmem>>
      %dma_wait3A_153 = tpu.memref_squeeze %dma_wait3A_152 : memref<1x1x128xi32, #tpu.memory_space<vmem>> -> memref<128xi32, #tpu.memory_space<vmem>>
      %dma_wait3A_154 = arith.constant 0 : i32
      %dma_wait3A_155 = arith.constant 0 : i32
      %dma_wait3A_156 = tpu.memref_slice %arg3[%dma_wait3A_154, %dma_wait3A_155] : memref<500000x128xf32, #tpu.memory_space<hbm>> -> memref<500000x128xf32, #tpu.memory_space<hbm>>
      tpu.wait_indirect_dma semaphore(%arg8 : memref<!tpu.dma_semaphore, #tpu.memory_space<semaphore_mem>>) src(%dma_wait3A_156 : memref<500000x128xf32, #tpu.memory_space<hbm>>) dst(%dma_wait3A_150 : memref<128x128xf32, #tpu.memory_space<vmem>>)
      %mul3A_157 = arith.constant 32 : i32
      %mul3A_158 = arith.muli %add3A_137, %mul3A_157 : i32
      %add3A_159 = arith.addi %mul3A_158, %add3A : i32
      %dma_start3A_160 = arith.constant 1 : i32
      %dma_start3A_161 = arith.constant 0 : i32
      %dma_start3A_162 = arith.constant 0 : i32
      %dma_start3A_163 = tpu.memref_slice %arg6[%dma_start3A_160, %dma_start3A_161, %dma_start3A_162] : memref<4x128x128xf32, #tpu.memory_space<vmem>> -> memref<1x128x128xf32, #tpu.memory_space<vmem>>
      %dma_start3A_164 = tpu.memref_squeeze %dma_start3A_163 : memref<1x128x128xf32, #tpu.memory_space<vmem>> -> memref<128x128xf32, #tpu.memory_space<vmem>>
      %dma_start3A_165 = arith.constant 0 : i32
      %dma_start3A_166 = arith.constant 0 : i32
      %dma_start3A_167 = tpu.memref_slice %arg4[%add3A_159, %dma_start3A_165, %dma_start3A_166] : memref<6400x128x128xf32, #tpu.memory_space<hbm>> -> memref<1x128x128xf32, #tpu.memory_space<hbm>>
      %dma_start3A_168 = tpu.memref_squeeze %dma_start3A_167 : memref<1x128x128xf32, #tpu.memory_space<hbm>> -> memref<128x128xf32, #tpu.memory_space<hbm>>
      %dma_start3A_169 = arith.constant 0 : i32
      %dma_start3A_170 = arith.constant 0 : i32
      %dma_start3A_171 = tpu.memref_slice %arg4[%add3A_159, %dma_start3A_169, %dma_start3A_170] : memref<6400x128x128xf32, #tpu.memory_space<hbm>> -> memref<1x128x128xf32, #tpu.memory_space<hbm>>
      %dma_start3A_172 = tpu.memref_squeeze %dma_start3A_171 : memref<1x128x128xf32, #tpu.memory_space<hbm>> -> memref<128x128xf32, #tpu.memory_space<hbm>>
      %dma_start3A_173 = arith.constant 0 : i32
      %dma_start3A_174 = arith.constant 0 : i32
      %dma_start3A_175 = tpu.memref_slice %arg6[%dma_start3A_160, %dma_start3A_173, %dma_start3A_174] : memref<4x128x128xf32, #tpu.memory_space<vmem>> -> memref<1x128x128xf32, #tpu.memory_space<vmem>>
      %dma_start3A_176 = tpu.memref_squeeze %dma_start3A_175 : memref<1x128x128xf32, #tpu.memory_space<vmem>> -> memref<128x128xf32, #tpu.memory_space<vmem>>
      tpu.enqueue_dma source(%dma_start3A_176 : memref<128x128xf32, #tpu.memory_space<vmem>>) target(%dma_start3A_172 : memref<128x128xf32, #tpu.memory_space<hbm>>) target_semaphore(%arg12 : memref<!tpu.dma_semaphore, #tpu.memory_space<semaphore_mem>>)
      %mul3A_177 = arith.constant 8 : i32
      %mul3A_178 = arith.muli %scan3A_93, %mul3A_177 : i32
      %add3A_179 = arith.constant 2 : i32
      %add3A_180 = arith.addi %mul3A_178, %add3A_179 : i32
      %add3A_181 = arith.constant 1 : i32
      %add3A_182 = arith.addi %add3A_180, %add3A_181 : i32
      %lt3A_183 = arith.constant 200 : i32
      %lt3A_184 = arith.cmpi slt, %add3A_182, %lt3A_183 : i32
      %convert_element_type3A_185 = arith.extui %lt3A_184 : i1 to i32
      %cond3A_186 = arith.constant 0 : i32
      %cond3A_187 = arith.cmpi ne, %convert_element_type3A_185, %cond3A_186 : i32
      scf.if %cond3A_187 {
        %ge3A = arith.constant 3 : i32
        %ge3A_435 = arith.cmpi sge, %add3A_180, %ge3A : i32
        %convert_element_type3A_436 = arith.extui %ge3A_435 : i1 to i32
        %cond3A_437 = arith.constant 0 : i32
        %cond3A_438 = arith.cmpi ne, %convert_element_type3A_436, %cond3A_437 : i32
        scf.if %cond3A_438 {
          %add3A_453 = arith.constant 1 : i32
          %add3A_454 = arith.addi %add3A_180, %add3A_453 : i32
          %sub3A = arith.constant 4 : i32
          %sub3A_455 = arith.subi %add3A_454, %sub3A : i32
          %mul3A_456 = arith.constant 32 : i32
          %mul3A_457 = arith.muli %sub3A_455, %mul3A_456 : i32
          %add3A_458 = arith.addi %mul3A_457, %add3A : i32
          %dma_wait3A_459 = arith.constant 3 : i32
          %dma_wait3A_460 = arith.constant 0 : i32
          %dma_wait3A_461 = arith.constant 0 : i32
          %dma_wait3A_462 = tpu.memref_slice %arg6[%dma_wait3A_459, %dma_wait3A_460, %dma_wait3A_461] : memref<4x128x128xf32, #tpu.memory_space<vmem>> -> memref<1x128x128xf32, #tpu.memory_space<vmem>>
          %dma_wait3A_463 = tpu.memref_squeeze %dma_wait3A_462 : memref<1x128x128xf32, #tpu.memory_space<vmem>> -> memref<128x128xf32, #tpu.memory_space<vmem>>
          %dma_wait3A_464 = arith.constant 0 : i32
          %dma_wait3A_465 = arith.constant 0 : i32
          %dma_wait3A_466 = tpu.memref_slice %arg4[%add3A_458, %dma_wait3A_464, %dma_wait3A_465] : memref<6400x128x128xf32, #tpu.memory_space<hbm>> -> memref<1x128x128xf32, #tpu.memory_space<hbm>>
          %dma_wait3A_467 = tpu.memref_squeeze %dma_wait3A_466 : memref<1x128x128xf32, #tpu.memory_space<hbm>> -> memref<128x128xf32, #tpu.memory_space<hbm>>
          %dma_wait3A_468 = arith.constant 0 : i32
          %dma_wait3A_469 = arith.constant 0 : i32
          %dma_wait3A_470 = tpu.memref_slice %arg4[%add3A_458, %dma_wait3A_468, %dma_wait3A_469] : memref<6400x128x128xf32, #tpu.memory_space<hbm>> -> memref<1x128x128xf32, #tpu.memory_space<hbm>>
          %dma_wait3A_471 = tpu.memref_squeeze %dma_wait3A_470 : memref<1x128x128xf32, #tpu.memory_space<hbm>> -> memref<128x128xf32, #tpu.memory_space<hbm>>
          %dma_wait3A_472 = arith.constant 0 : i32
          %dma_wait3A_473 = arith.constant 0 : i32
          %dma_wait3A_474 = tpu.memref_slice %arg6[%dma_wait3A_459, %dma_wait3A_472, %dma_wait3A_473] : memref<4x128x128xf32, #tpu.memory_space<vmem>> -> memref<1x128x128xf32, #tpu.memory_space<vmem>>
          %dma_wait3A_475 = tpu.memref_squeeze %dma_wait3A_474 : memref<1x128x128xf32, #tpu.memory_space<vmem>> -> memref<128x128xf32, #tpu.memory_space<vmem>>
          tpu.wait_dma2 semaphore(%arg14 : memref<!tpu.dma_semaphore, #tpu.memory_space<semaphore_mem>>) src(%dma_wait3A_475 : memref<128x128xf32, #tpu.memory_space<vmem>>) dst(%dma_wait3A_471 : memref<128x128xf32, #tpu.memory_space<hbm>>)
        } else {
        }
        %add3A_439 = arith.constant 0 : i32
        %add3A_440 = arith.addi %scan3A_93, %add3A_439 : i32
        %dma_start3A_441 = arith.constant 3 : i32
        %dma_start3A_442 = arith.constant 3 : i32
        %dma_start3A_443 = arith.constant 0 : i32
        %dma_start3A_444 = arith.constant 0 : i32
        %dma_start3A_445 = tpu.memref_slice %arg6[%dma_start3A_442, %dma_start3A_443, %dma_start3A_444] : memref<4x128x128xf32, #tpu.memory_space<vmem>> -> memref<1x128x128xf32, #tpu.memory_space<vmem>>
        %dma_start3A_446 = tpu.memref_squeeze %dma_start3A_445 : memref<1x128x128xf32, #tpu.memory_space<vmem>> -> memref<128x128xf32, #tpu.memory_space<vmem>>
        %dma_start3A_447 = arith.constant 0 : i32
        %dma_start3A_448 = tpu.memref_slice %arg5[%add3A_440, %dma_start3A_441, %dma_start3A_447] : memref<25x8x128xi32, #tpu.memory_space<vmem>> -> memref<1x1x128xi32, #tpu.memory_space<vmem>>
        %dma_start3A_449 = tpu.memref_squeeze %dma_start3A_448 : memref<1x1x128xi32, #tpu.memory_space<vmem>> -> memref<128xi32, #tpu.memory_space<vmem>>
        %dma_start3A_450 = arith.constant 0 : i32
        %dma_start3A_451 = arith.constant 0 : i32
        %dma_start3A_452 = tpu.memref_slice %arg3[%dma_start3A_450, %dma_start3A_451] : memref<500000x128xf32, #tpu.memory_space<hbm>> -> memref<500000x128xf32, #tpu.memory_space<hbm>>
        tpu.enqueue_indirect_dma source(%dma_start3A_452 : memref<500000x128xf32, #tpu.memory_space<hbm>>) target(%dma_start3A_446 : memref<128x128xf32, #tpu.memory_space<vmem>>) offsets(%dma_start3A_449 : memref<128xi32, #tpu.memory_space<vmem>>) semaphore(%arg10 : memref<!tpu.dma_semaphore, #tpu.memory_space<semaphore_mem>>)
      } else {
      }
      %dma_wait3A_188 = arith.constant 2 : i32
      %dma_wait3A_189 = arith.constant 2 : i32
      %dma_wait3A_190 = arith.constant 0 : i32
      %dma_wait3A_191 = arith.constant 0 : i32
      %dma_wait3A_192 = tpu.memref_slice %arg6[%dma_wait3A_189, %dma_wait3A_190, %dma_wait3A_191] : memref<4x128x128xf32, #tpu.memory_space<vmem>> -> memref<1x128x128xf32, #tpu.memory_space<vmem>>
      %dma_wait3A_193 = tpu.memref_squeeze %dma_wait3A_192 : memref<1x128x128xf32, #tpu.memory_space<vmem>> -> memref<128x128xf32, #tpu.memory_space<vmem>>
      %dma_wait3A_194 = arith.constant 0 : i32
      %dma_wait3A_195 = tpu.memref_slice %arg5[%scan3A_93, %dma_wait3A_188, %dma_wait3A_194] : memref<25x8x128xi32, #tpu.memory_space<vmem>> -> memref<1x1x128xi32, #tpu.memory_space<vmem>>
      %dma_wait3A_196 = tpu.memref_squeeze %dma_wait3A_195 : memref<1x1x128xi32, #tpu.memory_space<vmem>> -> memref<128xi32, #tpu.memory_space<vmem>>
      %dma_wait3A_197 = arith.constant 0 : i32
      %dma_wait3A_198 = arith.constant 0 : i32
      %dma_wait3A_199 = tpu.memref_slice %arg3[%dma_wait3A_197, %dma_wait3A_198] : memref<500000x128xf32, #tpu.memory_space<hbm>> -> memref<500000x128xf32, #tpu.memory_space<hbm>>
      tpu.wait_indirect_dma semaphore(%arg9 : memref<!tpu.dma_semaphore, #tpu.memory_space<semaphore_mem>>) src(%dma_wait3A_199 : memref<500000x128xf32, #tpu.memory_space<hbm>>) dst(%dma_wait3A_193 : memref<128x128xf32, #tpu.memory_space<vmem>>)
      %mul3A_200 = arith.constant 32 : i32
      %mul3A_201 = arith.muli %add3A_180, %mul3A_200 : i32
      %add3A_202 = arith.addi %mul3A_201, %add3A : i32
      %dma_start3A_203 = arith.constant 2 : i32
      %dma_start3A_204 = arith.constant 0 : i32
      %dma_start3A_205 = arith.constant 0 : i32
      %dma_start3A_206 = tpu.memref_slice %arg6[%dma_start3A_203, %dma_start3A_204, %dma_start3A_205] : memref<4x128x128xf32, #tpu.memory_space<vmem>> -> memref<1x128x128xf32, #tpu.memory_space<vmem>>
      %dma_start3A_207 = tpu.memref_squeeze %dma_start3A_206 : memref<1x128x128xf32, #tpu.memory_space<vmem>> -> memref<128x128xf32, #tpu.memory_space<vmem>>
      %dma_start3A_208 = arith.constant 0 : i32
      %dma_start3A_209 = arith.constant 0 : i32
      %dma_start3A_210 = tpu.memref_slice %arg4[%add3A_202, %dma_start3A_208, %dma_start3A_209] : memref<6400x128x128xf32, #tpu.memory_space<hbm>> -> memref<1x128x128xf32, #tpu.memory_space<hbm>>
      %dma_start3A_211 = tpu.memref_squeeze %dma_start3A_210 : memref<1x128x128xf32, #tpu.memory_space<hbm>> -> memref<128x128xf32, #tpu.memory_space<hbm>>
      %dma_start3A_212 = arith.constant 0 : i32
      %dma_start3A_213 = arith.constant 0 : i32
      %dma_start3A_214 = tpu.memref_slice %arg4[%add3A_202, %dma_start3A_212, %dma_start3A_213] : memref<6400x128x128xf32, #tpu.memory_space<hbm>> -> memref<1x128x128xf32, #tpu.memory_space<hbm>>
      %dma_start3A_215 = tpu.memref_squeeze %dma_start3A_214 : memref<1x128x128xf32, #tpu.memory_space<hbm>> -> memref<128x128xf32, #tpu.memory_space<hbm>>
      %dma_start3A_216 = arith.constant 0 : i32
      %dma_start3A_217 = arith.constant 0 : i32
      %dma_start3A_218 = tpu.memref_slice %arg6[%dma_start3A_203, %dma_start3A_216, %dma_start3A_217] : memref<4x128x128xf32, #tpu.memory_space<vmem>> -> memref<1x128x128xf32, #tpu.memory_space<vmem>>
      %dma_start3A_219 = tpu.memref_squeeze %dma_start3A_218 : memref<1x128x128xf32, #tpu.memory_space<vmem>> -> memref<128x128xf32, #tpu.memory_space<vmem>>
      tpu.enqueue_dma source(%dma_start3A_219 : memref<128x128xf32, #tpu.memory_space<vmem>>) target(%dma_start3A_215 : memref<128x128xf32, #tpu.memory_space<hbm>>) target_semaphore(%arg13 : memref<!tpu.dma_semaphore, #tpu.memory_space<semaphore_mem>>)
      %mul3A_220 = arith.constant 8 : i32
      %mul3A_221 = arith.muli %scan3A_93, %mul3A_220 : i32
      %add3A_222 = arith.constant 3 : i32
      %add3A_223 = arith.addi %mul3A_221, %add3A_222 : i32
      %add3A_224 = arith.constant 1 : i32
      %add3A_225 = arith.addi %add3A_223, %add3A_224 : i32
      %lt3A_226 = arith.constant 200 : i32
      %lt3A_227 = arith.cmpi slt, %add3A_225, %lt3A_226 : i32
      %convert_element_type3A_228 = arith.extui %lt3A_227 : i1 to i32
      %cond3A_229 = arith.constant 0 : i32
      %cond3A_230 = arith.cmpi ne, %convert_element_type3A_228, %cond3A_229 : i32
      scf.if %cond3A_230 {
        %ge3A = arith.constant 3 : i32
        %ge3A_435 = arith.cmpi sge, %add3A_223, %ge3A : i32
        %convert_element_type3A_436 = arith.extui %ge3A_435 : i1 to i32
        %cond3A_437 = arith.constant 0 : i32
        %cond3A_438 = arith.cmpi ne, %convert_element_type3A_436, %cond3A_437 : i32
        scf.if %cond3A_438 {
          %add3A_453 = arith.constant 1 : i32
          %add3A_454 = arith.addi %add3A_223, %add3A_453 : i32
          %sub3A = arith.constant 4 : i32
          %sub3A_455 = arith.subi %add3A_454, %sub3A : i32
          %mul3A_456 = arith.constant 32 : i32
          %mul3A_457 = arith.muli %sub3A_455, %mul3A_456 : i32
          %add3A_458 = arith.addi %mul3A_457, %add3A : i32
          %dma_wait3A_459 = arith.constant 0 : i32
          %dma_wait3A_460 = arith.constant 0 : i32
          %dma_wait3A_461 = arith.constant 0 : i32
          %dma_wait3A_462 = tpu.memref_slice %arg6[%dma_wait3A_459, %dma_wait3A_460, %dma_wait3A_461] : memref<4x128x128xf32, #tpu.memory_space<vmem>> -> memref<1x128x128xf32, #tpu.memory_space<vmem>>
          %dma_wait3A_463 = tpu.memref_squeeze %dma_wait3A_462 : memref<1x128x128xf32, #tpu.memory_space<vmem>> -> memref<128x128xf32, #tpu.memory_space<vmem>>
          %dma_wait3A_464 = arith.constant 0 : i32
          %dma_wait3A_465 = arith.constant 0 : i32
          %dma_wait3A_466 = tpu.memref_slice %arg4[%add3A_458, %dma_wait3A_464, %dma_wait3A_465] : memref<6400x128x128xf32, #tpu.memory_space<hbm>> -> memref<1x128x128xf32, #tpu.memory_space<hbm>>
          %dma_wait3A_467 = tpu.memref_squeeze %dma_wait3A_466 : memref<1x128x128xf32, #tpu.memory_space<hbm>> -> memref<128x128xf32, #tpu.memory_space<hbm>>
          %dma_wait3A_468 = arith.constant 0 : i32
          %dma_wait3A_469 = arith.constant 0 : i32
          %dma_wait3A_470 = tpu.memref_slice %arg4[%add3A_458, %dma_wait3A_468, %dma_wait3A_469] : memref<6400x128x128xf32, #tpu.memory_space<hbm>> -> memref<1x128x128xf32, #tpu.memory_space<hbm>>
          %dma_wait3A_471 = tpu.memref_squeeze %dma_wait3A_470 : memref<1x128x128xf32, #tpu.memory_space<hbm>> -> memref<128x128xf32, #tpu.memory_space<hbm>>
          %dma_wait3A_472 = arith.constant 0 : i32
          %dma_wait3A_473 = arith.constant 0 : i32
          %dma_wait3A_474 = tpu.memref_slice %arg6[%dma_wait3A_459, %dma_wait3A_472, %dma_wait3A_473] : memref<4x128x128xf32, #tpu.memory_space<vmem>> -> memref<1x128x128xf32, #tpu.memory_space<vmem>>
          %dma_wait3A_475 = tpu.memref_squeeze %dma_wait3A_474 : memref<1x128x128xf32, #tpu.memory_space<vmem>> -> memref<128x128xf32, #tpu.memory_space<vmem>>
          tpu.wait_dma2 semaphore(%arg11 : memref<!tpu.dma_semaphore, #tpu.memory_space<semaphore_mem>>) src(%dma_wait3A_475 : memref<128x128xf32, #tpu.memory_space<vmem>>) dst(%dma_wait3A_471 : memref<128x128xf32, #tpu.memory_space<hbm>>)
        } else {
        }
        %add3A_439 = arith.constant 0 : i32
        %add3A_440 = arith.addi %scan3A_93, %add3A_439 : i32
        %dma_start3A_441 = arith.constant 4 : i32
        %dma_start3A_442 = arith.constant 0 : i32
        %dma_start3A_443 = arith.constant 0 : i32
        %dma_start3A_444 = arith.constant 0 : i32
        %dma_start3A_445 = tpu.memref_slice %arg6[%dma_start3A_442, %dma_start3A_443, %dma_start3A_444] : memref<4x128x128xf32, #tpu.memory_space<vmem>> -> memref<1x128x128xf32, #tpu.memory_space<vmem>>
        %dma_start3A_446 = tpu.memref_squeeze %dma_start3A_445 : memref<1x128x128xf32, #tpu.memory_space<vmem>> -> memref<128x128xf32, #tpu.memory_space<vmem>>
        %dma_start3A_447 = arith.constant 0 : i32
        %dma_start3A_448 = tpu.memref_slice %arg5[%add3A_440, %dma_start3A_441, %dma_start3A_447] : memref<25x8x128xi32, #tpu.memory_space<vmem>> -> memref<1x1x128xi32, #tpu.memory_space<vmem>>
        %dma_start3A_449 = tpu.memref_squeeze %dma_start3A_448 : memref<1x1x128xi32, #tpu.memory_space<vmem>> -> memref<128xi32, #tpu.memory_space<vmem>>
        %dma_start3A_450 = arith.constant 0 : i32
        %dma_start3A_451 = arith.constant 0 : i32
        %dma_start3A_452 = tpu.memref_slice %arg3[%dma_start3A_450, %dma_start3A_451] : memref<500000x128xf32, #tpu.memory_space<hbm>> -> memref<500000x128xf32, #tpu.memory_space<hbm>>
        tpu.enqueue_indirect_dma source(%dma_start3A_452 : memref<500000x128xf32, #tpu.memory_space<hbm>>) target(%dma_start3A_446 : memref<128x128xf32, #tpu.memory_space<vmem>>) offsets(%dma_start3A_449 : memref<128xi32, #tpu.memory_space<vmem>>) semaphore(%arg7 : memref<!tpu.dma_semaphore, #tpu.memory_space<semaphore_mem>>)
      } else {
      }
      %dma_wait3A_231 = arith.constant 3 : i32
      %dma_wait3A_232 = arith.constant 3 : i32
      %dma_wait3A_233 = arith.constant 0 : i32
      %dma_wait3A_234 = arith.constant 0 : i32
      %dma_wait3A_235 = tpu.memref_slice %arg6[%dma_wait3A_232, %dma_wait3A_233, %dma_wait3A_234] : memref<4x128x128xf32, #tpu.memory_space<vmem>> -> memref<1x128x128xf32, #tpu.memory_space<vmem>>
      %dma_wait3A_236 = tpu.memref_squeeze %dma_wait3A_235 : memref<1x128x128xf32, #tpu.memory_space<vmem>> -> memref<128x128xf32, #tpu.memory_space<vmem>>
      %dma_wait3A_237 = arith.constant 0 : i32
      %dma_wait3A_238 = tpu.memref_slice %arg5[%scan3A_93, %dma_wait3A_231, %dma_wait3A_237] : memref<25x8x128xi32, #tpu.memory_space<vmem>> -> memref<1x1x128xi32, #tpu.memory_space<vmem>>
      %dma_wait3A_239 = tpu.memref_squeeze %dma_wait3A_238 : memref<1x1x128xi32, #tpu.memory_space<vmem>> -> memref<128xi32, #tpu.memory_space<vmem>>
      %dma_wait3A_240 = arith.constant 0 : i32
      %dma_wait3A_241 = arith.constant 0 : i32
      %dma_wait3A_242 = tpu.memref_slice %arg3[%dma_wait3A_240, %dma_wait3A_241] : memref<500000x128xf32, #tpu.memory_space<hbm>> -> memref<500000x128xf32, #tpu.memory_space<hbm>>
      tpu.wait_indirect_dma semaphore(%arg10 : memref<!tpu.dma_semaphore, #tpu.memory_space<semaphore_mem>>) src(%dma_wait3A_242 : memref<500000x128xf32, #tpu.memory_space<hbm>>) dst(%dma_wait3A_236 : memref<128x128xf32, #tpu.memory_space<vmem>>)
      %mul3A_243 = arith.constant 32 : i32
      %mul3A_244 = arith.muli %add3A_223, %mul3A_243 : i32
      %add3A_245 = arith.addi %mul3A_244, %add3A : i32
      %dma_start3A_246 = arith.constant 3 : i32
      %dma_start3A_247 = arith.constant 0 : i32
      %dma_start3A_248 = arith.constant 0 : i32
      %dma_start3A_249 = tpu.memref_slice %arg6[%dma_start3A_246, %dma_start3A_247, %dma_start3A_248] : memref<4x128x128xf32, #tpu.memory_space<vmem>> -> memref<1x128x128xf32, #tpu.memory_space<vmem>>
      %dma_start3A_250 = tpu.memref_squeeze %dma_start3A_249 : memref<1x128x128xf32, #tpu.memory_space<vmem>> -> memref<128x128xf32, #tpu.memory_space<vmem>>
      %dma_start3A_251 = arith.constant 0 : i32
      %dma_start3A_252 = arith.constant 0 : i32
      %dma_start3A_253 = tpu.memref_slice %arg4[%add3A_245, %dma_start3A_251, %dma_start3A_252] : memref<6400x128x128xf32, #tpu.memory_space<hbm>> -> memref<1x128x128xf32, #tpu.memory_space<hbm>>
      %dma_start3A_254 = tpu.memref_squeeze %dma_start3A_253 : memref<1x128x128xf32, #tpu.memory_space<hbm>> -> memref<128x128xf32, #tpu.memory_space<hbm>>
      %dma_start3A_255 = arith.constant 0 : i32
      %dma_start3A_256 = arith.constant 0 : i32
      %dma_start3A_257 = tpu.memref_slice %arg4[%add3A_245, %dma_start3A_255, %dma_start3A_256] : memref<6400x128x128xf32, #tpu.memory_space<hbm>> -> memref<1x128x128xf32, #tpu.memory_space<hbm>>
      %dma_start3A_258 = tpu.memref_squeeze %dma_start3A_257 : memref<1x128x128xf32, #tpu.memory_space<hbm>> -> memref<128x128xf32, #tpu.memory_space<hbm>>
      %dma_start3A_259 = arith.constant 0 : i32
      %dma_start3A_260 = arith.constant 0 : i32
      %dma_start3A_261 = tpu.memref_slice %arg6[%dma_start3A_246, %dma_start3A_259, %dma_start3A_260] : memref<4x128x128xf32, #tpu.memory_space<vmem>> -> memref<1x128x128xf32, #tpu.memory_space<vmem>>
      %dma_start3A_262 = tpu.memref_squeeze %dma_start3A_261 : memref<1x128x128xf32, #tpu.memory_space<vmem>> -> memref<128x128xf32, #tpu.memory_space<vmem>>
      tpu.enqueue_dma source(%dma_start3A_262 : memref<128x128xf32, #tpu.memory_space<vmem>>) target(%dma_start3A_258 : memref<128x128xf32, #tpu.memory_space<hbm>>) target_semaphore(%arg14 : memref<!tpu.dma_semaphore, #tpu.memory_space<semaphore_mem>>)
      %mul3A_263 = arith.constant 8 : i32
      %mul3A_264 = arith.muli %scan3A_93, %mul3A_263 : i32
      %add3A_265 = arith.constant 4 : i32
      %add3A_266 = arith.addi %mul3A_264, %add3A_265 : i32
      %add3A_267 = arith.constant 1 : i32
      %add3A_268 = arith.addi %add3A_266, %add3A_267 : i32
      %lt3A_269 = arith.constant 200 : i32
      %lt3A_270 = arith.cmpi slt, %add3A_268, %lt3A_269 : i32
      %convert_element_type3A_271 = arith.extui %lt3A_270 : i1 to i32
      %cond3A_272 = arith.constant 0 : i32
      %cond3A_273 = arith.cmpi ne, %convert_element_type3A_271, %cond3A_272 : i32
      scf.if %cond3A_273 {
        %ge3A = arith.constant 3 : i32
        %ge3A_435 = arith.cmpi sge, %add3A_266, %ge3A : i32
        %convert_element_type3A_436 = arith.extui %ge3A_435 : i1 to i32
        %cond3A_437 = arith.constant 0 : i32
        %cond3A_438 = arith.cmpi ne, %convert_element_type3A_436, %cond3A_437 : i32
        scf.if %cond3A_438 {
          %add3A_453 = arith.constant 1 : i32
          %add3A_454 = arith.addi %add3A_266, %add3A_453 : i32
          %sub3A = arith.constant 4 : i32
          %sub3A_455 = arith.subi %add3A_454, %sub3A : i32
          %mul3A_456 = arith.constant 32 : i32
          %mul3A_457 = arith.muli %sub3A_455, %mul3A_456 : i32
          %add3A_458 = arith.addi %mul3A_457, %add3A : i32
          %dma_wait3A_459 = arith.constant 1 : i32
          %dma_wait3A_460 = arith.constant 0 : i32
          %dma_wait3A_461 = arith.constant 0 : i32
          %dma_wait3A_462 = tpu.memref_slice %arg6[%dma_wait3A_459, %dma_wait3A_460, %dma_wait3A_461] : memref<4x128x128xf32, #tpu.memory_space<vmem>> -> memref<1x128x128xf32, #tpu.memory_space<vmem>>
          %dma_wait3A_463 = tpu.memref_squeeze %dma_wait3A_462 : memref<1x128x128xf32, #tpu.memory_space<vmem>> -> memref<128x128xf32, #tpu.memory_space<vmem>>
          %dma_wait3A_464 = arith.constant 0 : i32
          %dma_wait3A_465 = arith.constant 0 : i32
          %dma_wait3A_466 = tpu.memref_slice %arg4[%add3A_458, %dma_wait3A_464, %dma_wait3A_465] : memref<6400x128x128xf32, #tpu.memory_space<hbm>> -> memref<1x128x128xf32, #tpu.memory_space<hbm>>
          %dma_wait3A_467 = tpu.memref_squeeze %dma_wait3A_466 : memref<1x128x128xf32, #tpu.memory_space<hbm>> -> memref<128x128xf32, #tpu.memory_space<hbm>>
          %dma_wait3A_468 = arith.constant 0 : i32
          %dma_wait3A_469 = arith.constant 0 : i32
          %dma_wait3A_470 = tpu.memref_slice %arg4[%add3A_458, %dma_wait3A_468, %dma_wait3A_469] : memref<6400x128x128xf32, #tpu.memory_space<hbm>> -> memref<1x128x128xf32, #tpu.memory_space<hbm>>
          %dma_wait3A_471 = tpu.memref_squeeze %dma_wait3A_470 : memref<1x128x128xf32, #tpu.memory_space<hbm>> -> memref<128x128xf32, #tpu.memory_space<hbm>>
          %dma_wait3A_472 = arith.constant 0 : i32
          %dma_wait3A_473 = arith.constant 0 : i32
          %dma_wait3A_474 = tpu.memref_slice %arg6[%dma_wait3A_459, %dma_wait3A_472, %dma_wait3A_473] : memref<4x128x128xf32, #tpu.memory_space<vmem>> -> memref<1x128x128xf32, #tpu.memory_space<vmem>>
          %dma_wait3A_475 = tpu.memref_squeeze %dma_wait3A_474 : memref<1x128x128xf32, #tpu.memory_space<vmem>> -> memref<128x128xf32, #tpu.memory_space<vmem>>
          tpu.wait_dma2 semaphore(%arg12 : memref<!tpu.dma_semaphore, #tpu.memory_space<semaphore_mem>>) src(%dma_wait3A_475 : memref<128x128xf32, #tpu.memory_space<vmem>>) dst(%dma_wait3A_471 : memref<128x128xf32, #tpu.memory_space<hbm>>)
        } else {
        }
        %add3A_439 = arith.constant 0 : i32
        %add3A_440 = arith.addi %scan3A_93, %add3A_439 : i32
        %dma_start3A_441 = arith.constant 5 : i32
        %dma_start3A_442 = arith.constant 1 : i32
        %dma_start3A_443 = arith.constant 0 : i32
        %dma_start3A_444 = arith.constant 0 : i32
        %dma_start3A_445 = tpu.memref_slice %arg6[%dma_start3A_442, %dma_start3A_443, %dma_start3A_444] : memref<4x128x128xf32, #tpu.memory_space<vmem>> -> memref<1x128x128xf32, #tpu.memory_space<vmem>>
        %dma_start3A_446 = tpu.memref_squeeze %dma_start3A_445 : memref<1x128x128xf32, #tpu.memory_space<vmem>> -> memref<128x128xf32, #tpu.memory_space<vmem>>
        %dma_start3A_447 = arith.constant 0 : i32
        %dma_start3A_448 = tpu.memref_slice %arg5[%add3A_440, %dma_start3A_441, %dma_start3A_447] : memref<25x8x128xi32, #tpu.memory_space<vmem>> -> memref<1x1x128xi32, #tpu.memory_space<vmem>>
        %dma_start3A_449 = tpu.memref_squeeze %dma_start3A_448 : memref<1x1x128xi32, #tpu.memory_space<vmem>> -> memref<128xi32, #tpu.memory_space<vmem>>
        %dma_start3A_450 = arith.constant 0 : i32
        %dma_start3A_451 = arith.constant 0 : i32
        %dma_start3A_452 = tpu.memref_slice %arg3[%dma_start3A_450, %dma_start3A_451] : memref<500000x128xf32, #tpu.memory_space<hbm>> -> memref<500000x128xf32, #tpu.memory_space<hbm>>
        tpu.enqueue_indirect_dma source(%dma_start3A_452 : memref<500000x128xf32, #tpu.memory_space<hbm>>) target(%dma_start3A_446 : memref<128x128xf32, #tpu.memory_space<vmem>>) offsets(%dma_start3A_449 : memref<128xi32, #tpu.memory_space<vmem>>) semaphore(%arg8 : memref<!tpu.dma_semaphore, #tpu.memory_space<semaphore_mem>>)
      } else {
      }
      %dma_wait3A_274 = arith.constant 4 : i32
      %dma_wait3A_275 = arith.constant 0 : i32
      %dma_wait3A_276 = arith.constant 0 : i32
      %dma_wait3A_277 = arith.constant 0 : i32
      %dma_wait3A_278 = tpu.memref_slice %arg6[%dma_wait3A_275, %dma_wait3A_276, %dma_wait3A_277] : memref<4x128x128xf32, #tpu.memory_space<vmem>> -> memref<1x128x128xf32, #tpu.memory_space<vmem>>
      %dma_wait3A_279 = tpu.memref_squeeze %dma_wait3A_278 : memref<1x128x128xf32, #tpu.memory_space<vmem>> -> memref<128x128xf32, #tpu.memory_space<vmem>>
      %dma_wait3A_280 = arith.constant 0 : i32
      %dma_wait3A_281 = tpu.memref_slice %arg5[%scan3A_93, %dma_wait3A_274, %dma_wait3A_280] : memref<25x8x128xi32, #tpu.memory_space<vmem>> -> memref<1x1x128xi32, #tpu.memory_space<vmem>>
      %dma_wait3A_282 = tpu.memref_squeeze %dma_wait3A_281 : memref<1x1x128xi32, #tpu.memory_space<vmem>> -> memref<128xi32, #tpu.memory_space<vmem>>
      %dma_wait3A_283 = arith.constant 0 : i32
      %dma_wait3A_284 = arith.constant 0 : i32
      %dma_wait3A_285 = tpu.memref_slice %arg3[%dma_wait3A_283, %dma_wait3A_284] : memref<500000x128xf32, #tpu.memory_space<hbm>> -> memref<500000x128xf32, #tpu.memory_space<hbm>>
      tpu.wait_indirect_dma semaphore(%arg7 : memref<!tpu.dma_semaphore, #tpu.memory_space<semaphore_mem>>) src(%dma_wait3A_285 : memref<500000x128xf32, #tpu.memory_space<hbm>>) dst(%dma_wait3A_279 : memref<128x128xf32, #tpu.memory_space<vmem>>)
      %mul3A_286 = arith.constant 32 : i32
      %mul3A_287 = arith.muli %add3A_266, %mul3A_286 : i32
      %add3A_288 = arith.addi %mul3A_287, %add3A : i32
      %dma_start3A_289 = arith.constant 0 : i32
      %dma_start3A_290 = arith.constant 0 : i32
      %dma_start3A_291 = arith.constant 0 : i32
      %dma_start3A_292 = tpu.memref_slice %arg6[%dma_start3A_289, %dma_start3A_290, %dma_start3A_291] : memref<4x128x128xf32, #tpu.memory_space<vmem>> -> memref<1x128x128xf32, #tpu.memory_space<vmem>>
      %dma_start3A_293 = tpu.memref_squeeze %dma_start3A_292 : memref<1x128x128xf32, #tpu.memory_space<vmem>> -> memref<128x128xf32, #tpu.memory_space<vmem>>
      %dma_start3A_294 = arith.constant 0 : i32
      %dma_start3A_295 = arith.constant 0 : i32
      %dma_start3A_296 = tpu.memref_slice %arg4[%add3A_288, %dma_start3A_294, %dma_start3A_295] : memref<6400x128x128xf32, #tpu.memory_space<hbm>> -> memref<1x128x128xf32, #tpu.memory_space<hbm>>
      %dma_start3A_297 = tpu.memref_squeeze %dma_start3A_296 : memref<1x128x128xf32, #tpu.memory_space<hbm>> -> memref<128x128xf32, #tpu.memory_space<hbm>>
      %dma_start3A_298 = arith.constant 0 : i32
      %dma_start3A_299 = arith.constant 0 : i32
      %dma_start3A_300 = tpu.memref_slice %arg4[%add3A_288, %dma_start3A_298, %dma_start3A_299] : memref<6400x128x128xf32, #tpu.memory_space<hbm>> -> memref<1x128x128xf32, #tpu.memory_space<hbm>>
      %dma_start3A_301 = tpu.memref_squeeze %dma_start3A_300 : memref<1x128x128xf32, #tpu.memory_space<hbm>> -> memref<128x128xf32, #tpu.memory_space<hbm>>
      %dma_start3A_302 = arith.constant 0 : i32
      %dma_start3A_303 = arith.constant 0 : i32
      %dma_start3A_304 = tpu.memref_slice %arg6[%dma_start3A_289, %dma_start3A_302, %dma_start3A_303] : memref<4x128x128xf32, #tpu.memory_space<vmem>> -> memref<1x128x128xf32, #tpu.memory_space<vmem>>
      %dma_start3A_305 = tpu.memref_squeeze %dma_start3A_304 : memref<1x128x128xf32, #tpu.memory_space<vmem>> -> memref<128x128xf32, #tpu.memory_space<vmem>>
      tpu.enqueue_dma source(%dma_start3A_305 : memref<128x128xf32, #tpu.memory_space<vmem>>) target(%dma_start3A_301 : memref<128x128xf32, #tpu.memory_space<hbm>>) target_semaphore(%arg11 : memref<!tpu.dma_semaphore, #tpu.memory_space<semaphore_mem>>)
      %mul3A_306 = arith.constant 8 : i32
      %mul3A_307 = arith.muli %scan3A_93, %mul3A_306 : i32
      %add3A_308 = arith.constant 5 : i32
      %add3A_309 = arith.addi %mul3A_307, %add3A_308 : i32
      %add3A_310 = arith.constant 1 : i32
      %add3A_311 = arith.addi %add3A_309, %add3A_310 : i32
      %lt3A_312 = arith.constant 200 : i32
      %lt3A_313 = arith.cmpi slt, %add3A_311, %lt3A_312 : i32
      %convert_element_type3A_314 = arith.extui %lt3A_313 : i1 to i32
      %cond3A_315 = arith.constant 0 : i32
      %cond3A_316 = arith.cmpi ne, %convert_element_type3A_314, %cond3A_315 : i32
      scf.if %cond3A_316 {
        %ge3A = arith.constant 3 : i32
        %ge3A_435 = arith.cmpi sge, %add3A_309, %ge3A : i32
        %convert_element_type3A_436 = arith.extui %ge3A_435 : i1 to i32
        %cond3A_437 = arith.constant 0 : i32
        %cond3A_438 = arith.cmpi ne, %convert_element_type3A_436, %cond3A_437 : i32
        scf.if %cond3A_438 {
          %add3A_453 = arith.constant 1 : i32
          %add3A_454 = arith.addi %add3A_309, %add3A_453 : i32
          %sub3A = arith.constant 4 : i32
          %sub3A_455 = arith.subi %add3A_454, %sub3A : i32
          %mul3A_456 = arith.constant 32 : i32
          %mul3A_457 = arith.muli %sub3A_455, %mul3A_456 : i32
          %add3A_458 = arith.addi %mul3A_457, %add3A : i32
          %dma_wait3A_459 = arith.constant 2 : i32
          %dma_wait3A_460 = arith.constant 0 : i32
          %dma_wait3A_461 = arith.constant 0 : i32
          %dma_wait3A_462 = tpu.memref_slice %arg6[%dma_wait3A_459, %dma_wait3A_460, %dma_wait3A_461] : memref<4x128x128xf32, #tpu.memory_space<vmem>> -> memref<1x128x128xf32, #tpu.memory_space<vmem>>
          %dma_wait3A_463 = tpu.memref_squeeze %dma_wait3A_462 : memref<1x128x128xf32, #tpu.memory_space<vmem>> -> memref<128x128xf32, #tpu.memory_space<vmem>>
          %dma_wait3A_464 = arith.constant 0 : i32
          %dma_wait3A_465 = arith.constant 0 : i32
          %dma_wait3A_466 = tpu.memref_slice %arg4[%add3A_458, %dma_wait3A_464, %dma_wait3A_465] : memref<6400x128x128xf32, #tpu.memory_space<hbm>> -> memref<1x128x128xf32, #tpu.memory_space<hbm>>
          %dma_wait3A_467 = tpu.memref_squeeze %dma_wait3A_466 : memref<1x128x128xf32, #tpu.memory_space<hbm>> -> memref<128x128xf32, #tpu.memory_space<hbm>>
          %dma_wait3A_468 = arith.constant 0 : i32
          %dma_wait3A_469 = arith.constant 0 : i32
          %dma_wait3A_470 = tpu.memref_slice %arg4[%add3A_458, %dma_wait3A_468, %dma_wait3A_469] : memref<6400x128x128xf32, #tpu.memory_space<hbm>> -> memref<1x128x128xf32, #tpu.memory_space<hbm>>
          %dma_wait3A_471 = tpu.memref_squeeze %dma_wait3A_470 : memref<1x128x128xf32, #tpu.memory_space<hbm>> -> memref<128x128xf32, #tpu.memory_space<hbm>>
          %dma_wait3A_472 = arith.constant 0 : i32
          %dma_wait3A_473 = arith.constant 0 : i32
          %dma_wait3A_474 = tpu.memref_slice %arg6[%dma_wait3A_459, %dma_wait3A_472, %dma_wait3A_473] : memref<4x128x128xf32, #tpu.memory_space<vmem>> -> memref<1x128x128xf32, #tpu.memory_space<vmem>>
          %dma_wait3A_475 = tpu.memref_squeeze %dma_wait3A_474 : memref<1x128x128xf32, #tpu.memory_space<vmem>> -> memref<128x128xf32, #tpu.memory_space<vmem>>
          tpu.wait_dma2 semaphore(%arg13 : memref<!tpu.dma_semaphore, #tpu.memory_space<semaphore_mem>>) src(%dma_wait3A_475 : memref<128x128xf32, #tpu.memory_space<vmem>>) dst(%dma_wait3A_471 : memref<128x128xf32, #tpu.memory_space<hbm>>)
        } else {
        }
        %add3A_439 = arith.constant 0 : i32
        %add3A_440 = arith.addi %scan3A_93, %add3A_439 : i32
        %dma_start3A_441 = arith.constant 6 : i32
        %dma_start3A_442 = arith.constant 2 : i32
        %dma_start3A_443 = arith.constant 0 : i32
        %dma_start3A_444 = arith.constant 0 : i32
        %dma_start3A_445 = tpu.memref_slice %arg6[%dma_start3A_442, %dma_start3A_443, %dma_start3A_444] : memref<4x128x128xf32, #tpu.memory_space<vmem>> -> memref<1x128x128xf32, #tpu.memory_space<vmem>>
        %dma_start3A_446 = tpu.memref_squeeze %dma_start3A_445 : memref<1x128x128xf32, #tpu.memory_space<vmem>> -> memref<128x128xf32, #tpu.memory_space<vmem>>
        %dma_start3A_447 = arith.constant 0 : i32
        %dma_start3A_448 = tpu.memref_slice %arg5[%add3A_440, %dma_start3A_441, %dma_start3A_447] : memref<25x8x128xi32, #tpu.memory_space<vmem>> -> memref<1x1x128xi32, #tpu.memory_space<vmem>>
        %dma_start3A_449 = tpu.memref_squeeze %dma_start3A_448 : memref<1x1x128xi32, #tpu.memory_space<vmem>> -> memref<128xi32, #tpu.memory_space<vmem>>
        %dma_start3A_450 = arith.constant 0 : i32
        %dma_start3A_451 = arith.constant 0 : i32
        %dma_start3A_452 = tpu.memref_slice %arg3[%dma_start3A_450, %dma_start3A_451] : memref<500000x128xf32, #tpu.memory_space<hbm>> -> memref<500000x128xf32, #tpu.memory_space<hbm>>
        tpu.enqueue_indirect_dma source(%dma_start3A_452 : memref<500000x128xf32, #tpu.memory_space<hbm>>) target(%dma_start3A_446 : memref<128x128xf32, #tpu.memory_space<vmem>>) offsets(%dma_start3A_449 : memref<128xi32, #tpu.memory_space<vmem>>) semaphore(%arg9 : memref<!tpu.dma_semaphore, #tpu.memory_space<semaphore_mem>>)
      } else {
      }
      %dma_wait3A_317 = arith.constant 5 : i32
      %dma_wait3A_318 = arith.constant 1 : i32
      %dma_wait3A_319 = arith.constant 0 : i32
      %dma_wait3A_320 = arith.constant 0 : i32
      %dma_wait3A_321 = tpu.memref_slice %arg6[%dma_wait3A_318, %dma_wait3A_319, %dma_wait3A_320] : memref<4x128x128xf32, #tpu.memory_space<vmem>> -> memref<1x128x128xf32, #tpu.memory_space<vmem>>
      %dma_wait3A_322 = tpu.memref_squeeze %dma_wait3A_321 : memref<1x128x128xf32, #tpu.memory_space<vmem>> -> memref<128x128xf32, #tpu.memory_space<vmem>>
      %dma_wait3A_323 = arith.constant 0 : i32
      %dma_wait3A_324 = tpu.memref_slice %arg5[%scan3A_93, %dma_wait3A_317, %dma_wait3A_323] : memref<25x8x128xi32, #tpu.memory_space<vmem>> -> memref<1x1x128xi32, #tpu.memory_space<vmem>>
      %dma_wait3A_325 = tpu.memref_squeeze %dma_wait3A_324 : memref<1x1x128xi32, #tpu.memory_space<vmem>> -> memref<128xi32, #tpu.memory_space<vmem>>
      %dma_wait3A_326 = arith.constant 0 : i32
      %dma_wait3A_327 = arith.constant 0 : i32
      %dma_wait3A_328 = tpu.memref_slice %arg3[%dma_wait3A_326, %dma_wait3A_327] : memref<500000x128xf32, #tpu.memory_space<hbm>> -> memref<500000x128xf32, #tpu.memory_space<hbm>>
      tpu.wait_indirect_dma semaphore(%arg8 : memref<!tpu.dma_semaphore, #tpu.memory_space<semaphore_mem>>) src(%dma_wait3A_328 : memref<500000x128xf32, #tpu.memory_space<hbm>>) dst(%dma_wait3A_322 : memref<128x128xf32, #tpu.memory_space<vmem>>)
      %mul3A_329 = arith.constant 32 : i32
      %mul3A_330 = arith.muli %add3A_309, %mul3A_329 : i32
      %add3A_331 = arith.addi %mul3A_330, %add3A : i32
      %dma_start3A_332 = arith.constant 1 : i32
      %dma_start3A_333 = arith.constant 0 : i32
      %dma_start3A_334 = arith.constant 0 : i32
      %dma_start3A_335 = tpu.memref_slice %arg6[%dma_start3A_332, %dma_start3A_333, %dma_start3A_334] : memref<4x128x128xf32, #tpu.memory_space<vmem>> -> memref<1x128x128xf32, #tpu.memory_space<vmem>>
      %dma_start3A_336 = tpu.memref_squeeze %dma_start3A_335 : memref<1x128x128xf32, #tpu.memory_space<vmem>> -> memref<128x128xf32, #tpu.memory_space<vmem>>
      %dma_start3A_337 = arith.constant 0 : i32
      %dma_start3A_338 = arith.constant 0 : i32
      %dma_start3A_339 = tpu.memref_slice %arg4[%add3A_331, %dma_start3A_337, %dma_start3A_338] : memref<6400x128x128xf32, #tpu.memory_space<hbm>> -> memref<1x128x128xf32, #tpu.memory_space<hbm>>
      %dma_start3A_340 = tpu.memref_squeeze %dma_start3A_339 : memref<1x128x128xf32, #tpu.memory_space<hbm>> -> memref<128x128xf32, #tpu.memory_space<hbm>>
      %dma_start3A_341 = arith.constant 0 : i32
      %dma_start3A_342 = arith.constant 0 : i32
      %dma_start3A_343 = tpu.memref_slice %arg4[%add3A_331, %dma_start3A_341, %dma_start3A_342] : memref<6400x128x128xf32, #tpu.memory_space<hbm>> -> memref<1x128x128xf32, #tpu.memory_space<hbm>>
      %dma_start3A_344 = tpu.memref_squeeze %dma_start3A_343 : memref<1x128x128xf32, #tpu.memory_space<hbm>> -> memref<128x128xf32, #tpu.memory_space<hbm>>
      %dma_start3A_345 = arith.constant 0 : i32
      %dma_start3A_346 = arith.constant 0 : i32
      %dma_start3A_347 = tpu.memref_slice %arg6[%dma_start3A_332, %dma_start3A_345, %dma_start3A_346] : memref<4x128x128xf32, #tpu.memory_space<vmem>> -> memref<1x128x128xf32, #tpu.memory_space<vmem>>
      %dma_start3A_348 = tpu.memref_squeeze %dma_start3A_347 : memref<1x128x128xf32, #tpu.memory_space<vmem>> -> memref<128x128xf32, #tpu.memory_space<vmem>>
      tpu.enqueue_dma source(%dma_start3A_348 : memref<128x128xf32, #tpu.memory_space<vmem>>) target(%dma_start3A_344 : memref<128x128xf32, #tpu.memory_space<hbm>>) target_semaphore(%arg12 : memref<!tpu.dma_semaphore, #tpu.memory_space<semaphore_mem>>)
      %mul3A_349 = arith.constant 8 : i32
      %mul3A_350 = arith.muli %scan3A_93, %mul3A_349 : i32
      %add3A_351 = arith.constant 6 : i32
      %add3A_352 = arith.addi %mul3A_350, %add3A_351 : i32
      %add3A_353 = arith.constant 1 : i32
      %add3A_354 = arith.addi %add3A_352, %add3A_353 : i32
      %lt3A_355 = arith.constant 200 : i32
      %lt3A_356 = arith.cmpi slt, %add3A_354, %lt3A_355 : i32
      %convert_element_type3A_357 = arith.extui %lt3A_356 : i1 to i32
      %cond3A_358 = arith.constant 0 : i32
      %cond3A_359 = arith.cmpi ne, %convert_element_type3A_357, %cond3A_358 : i32
      scf.if %cond3A_359 {
        %ge3A = arith.constant 3 : i32
        %ge3A_435 = arith.cmpi sge, %add3A_352, %ge3A : i32
        %convert_element_type3A_436 = arith.extui %ge3A_435 : i1 to i32
        %cond3A_437 = arith.constant 0 : i32
        %cond3A_438 = arith.cmpi ne, %convert_element_type3A_436, %cond3A_437 : i32
        scf.if %cond3A_438 {
          %add3A_453 = arith.constant 1 : i32
          %add3A_454 = arith.addi %add3A_352, %add3A_453 : i32
          %sub3A = arith.constant 4 : i32
          %sub3A_455 = arith.subi %add3A_454, %sub3A : i32
          %mul3A_456 = arith.constant 32 : i32
          %mul3A_457 = arith.muli %sub3A_455, %mul3A_456 : i32
          %add3A_458 = arith.addi %mul3A_457, %add3A : i32
          %dma_wait3A_459 = arith.constant 3 : i32
          %dma_wait3A_460 = arith.constant 0 : i32
          %dma_wait3A_461 = arith.constant 0 : i32
          %dma_wait3A_462 = tpu.memref_slice %arg6[%dma_wait3A_459, %dma_wait3A_460, %dma_wait3A_461] : memref<4x128x128xf32, #tpu.memory_space<vmem>> -> memref<1x128x128xf32, #tpu.memory_space<vmem>>
          %dma_wait3A_463 = tpu.memref_squeeze %dma_wait3A_462 : memref<1x128x128xf32, #tpu.memory_space<vmem>> -> memref<128x128xf32, #tpu.memory_space<vmem>>
          %dma_wait3A_464 = arith.constant 0 : i32
          %dma_wait3A_465 = arith.constant 0 : i32
          %dma_wait3A_466 = tpu.memref_slice %arg4[%add3A_458, %dma_wait3A_464, %dma_wait3A_465] : memref<6400x128x128xf32, #tpu.memory_space<hbm>> -> memref<1x128x128xf32, #tpu.memory_space<hbm>>
          %dma_wait3A_467 = tpu.memref_squeeze %dma_wait3A_466 : memref<1x128x128xf32, #tpu.memory_space<hbm>> -> memref<128x128xf32, #tpu.memory_space<hbm>>
          %dma_wait3A_468 = arith.constant 0 : i32
          %dma_wait3A_469 = arith.constant 0 : i32
          %dma_wait3A_470 = tpu.memref_slice %arg4[%add3A_458, %dma_wait3A_468, %dma_wait3A_469] : memref<6400x128x128xf32, #tpu.memory_space<hbm>> -> memref<1x128x128xf32, #tpu.memory_space<hbm>>
          %dma_wait3A_471 = tpu.memref_squeeze %dma_wait3A_470 : memref<1x128x128xf32, #tpu.memory_space<hbm>> -> memref<128x128xf32, #tpu.memory_space<hbm>>
          %dma_wait3A_472 = arith.constant 0 : i32
          %dma_wait3A_473 = arith.constant 0 : i32
          %dma_wait3A_474 = tpu.memref_slice %arg6[%dma_wait3A_459, %dma_wait3A_472, %dma_wait3A_473] : memref<4x128x128xf32, #tpu.memory_space<vmem>> -> memref<1x128x128xf32, #tpu.memory_space<vmem>>
          %dma_wait3A_475 = tpu.memref_squeeze %dma_wait3A_474 : memref<1x128x128xf32, #tpu.memory_space<vmem>> -> memref<128x128xf32, #tpu.memory_space<vmem>>
          tpu.wait_dma2 semaphore(%arg14 : memref<!tpu.dma_semaphore, #tpu.memory_space<semaphore_mem>>) src(%dma_wait3A_475 : memref<128x128xf32, #tpu.memory_space<vmem>>) dst(%dma_wait3A_471 : memref<128x128xf32, #tpu.memory_space<hbm>>)
        } else {
        }
        %add3A_439 = arith.constant 0 : i32
        %add3A_440 = arith.addi %scan3A_93, %add3A_439 : i32
        %dma_start3A_441 = arith.constant 7 : i32
        %dma_start3A_442 = arith.constant 3 : i32
        %dma_start3A_443 = arith.constant 0 : i32
        %dma_start3A_444 = arith.constant 0 : i32
        %dma_start3A_445 = tpu.memref_slice %arg6[%dma_start3A_442, %dma_start3A_443, %dma_start3A_444] : memref<4x128x128xf32, #tpu.memory_space<vmem>> -> memref<1x128x128xf32, #tpu.memory_space<vmem>>
        %dma_start3A_446 = tpu.memref_squeeze %dma_start3A_445 : memref<1x128x128xf32, #tpu.memory_space<vmem>> -> memref<128x128xf32, #tpu.memory_space<vmem>>
        %dma_start3A_447 = arith.constant 0 : i32
        %dma_start3A_448 = tpu.memref_slice %arg5[%add3A_440, %dma_start3A_441, %dma_start3A_447] : memref<25x8x128xi32, #tpu.memory_space<vmem>> -> memref<1x1x128xi32, #tpu.memory_space<vmem>>
        %dma_start3A_449 = tpu.memref_squeeze %dma_start3A_448 : memref<1x1x128xi32, #tpu.memory_space<vmem>> -> memref<128xi32, #tpu.memory_space<vmem>>
        %dma_start3A_450 = arith.constant 0 : i32
        %dma_start3A_451 = arith.constant 0 : i32
        %dma_start3A_452 = tpu.memref_slice %arg3[%dma_start3A_450, %dma_start3A_451] : memref<500000x128xf32, #tpu.memory_space<hbm>> -> memref<500000x128xf32, #tpu.memory_space<hbm>>
        tpu.enqueue_indirect_dma source(%dma_start3A_452 : memref<500000x128xf32, #tpu.memory_space<hbm>>) target(%dma_start3A_446 : memref<128x128xf32, #tpu.memory_space<vmem>>) offsets(%dma_start3A_449 : memref<128xi32, #tpu.memory_space<vmem>>) semaphore(%arg10 : memref<!tpu.dma_semaphore, #tpu.memory_space<semaphore_mem>>)
      } else {
      }
      %dma_wait3A_360 = arith.constant 6 : i32
      %dma_wait3A_361 = arith.constant 2 : i32
      %dma_wait3A_362 = arith.constant 0 : i32
      %dma_wait3A_363 = arith.constant 0 : i32
      %dma_wait3A_364 = tpu.memref_slice %arg6[%dma_wait3A_361, %dma_wait3A_362, %dma_wait3A_363] : memref<4x128x128xf32, #tpu.memory_space<vmem>> -> memref<1x128x128xf32, #tpu.memory_space<vmem>>
      %dma_wait3A_365 = tpu.memref_squeeze %dma_wait3A_364 : memref<1x128x128xf32, #tpu.memory_space<vmem>> -> memref<128x128xf32, #tpu.memory_space<vmem>>
      %dma_wait3A_366 = arith.constant 0 : i32
      %dma_wait3A_367 = tpu.memref_slice %arg5[%scan3A_93, %dma_wait3A_360, %dma_wait3A_366] : memref<25x8x128xi32, #tpu.memory_space<vmem>> -> memref<1x1x128xi32, #tpu.memory_space<vmem>>
      %dma_wait3A_368 = tpu.memref_squeeze %dma_wait3A_367 : memref<1x1x128xi32, #tpu.memory_space<vmem>> -> memref<128xi32, #tpu.memory_space<vmem>>
      %dma_wait3A_369 = arith.constant 0 : i32
      %dma_wait3A_370 = arith.constant 0 : i32
      %dma_wait3A_371 = tpu.memref_slice %arg3[%dma_wait3A_369, %dma_wait3A_370] : memref<500000x128xf32, #tpu.memory_space<hbm>> -> memref<500000x128xf32, #tpu.memory_space<hbm>>
      tpu.wait_indirect_dma semaphore(%arg9 : memref<!tpu.dma_semaphore, #tpu.memory_space<semaphore_mem>>) src(%dma_wait3A_371 : memref<500000x128xf32, #tpu.memory_space<hbm>>) dst(%dma_wait3A_365 : memref<128x128xf32, #tpu.memory_space<vmem>>)
      %mul3A_372 = arith.constant 32 : i32
      %mul3A_373 = arith.muli %add3A_352, %mul3A_372 : i32
      %add3A_374 = arith.addi %mul3A_373, %add3A : i32
      %dma_start3A_375 = arith.constant 2 : i32
      %dma_start3A_376 = arith.constant 0 : i32
      %dma_start3A_377 = arith.constant 0 : i32
      %dma_start3A_378 = tpu.memref_slice %arg6[%dma_start3A_375, %dma_start3A_376, %dma_start3A_377] : memref<4x128x128xf32, #tpu.memory_space<vmem>> -> memref<1x128x128xf32, #tpu.memory_space<vmem>>
      %dma_start3A_379 = tpu.memref_squeeze %dma_start3A_378 : memref<1x128x128xf32, #tpu.memory_space<vmem>> -> memref<128x128xf32, #tpu.memory_space<vmem>>
      %dma_start3A_380 = arith.constant 0 : i32
      %dma_start3A_381 = arith.constant 0 : i32
      %dma_start3A_382 = tpu.memref_slice %arg4[%add3A_374, %dma_start3A_380, %dma_start3A_381] : memref<6400x128x128xf32, #tpu.memory_space<hbm>> -> memref<1x128x128xf32, #tpu.memory_space<hbm>>
      %dma_start3A_383 = tpu.memref_squeeze %dma_start3A_382 : memref<1x128x128xf32, #tpu.memory_space<hbm>> -> memref<128x128xf32, #tpu.memory_space<hbm>>
      %dma_start3A_384 = arith.constant 0 : i32
      %dma_start3A_385 = arith.constant 0 : i32
      %dma_start3A_386 = tpu.memref_slice %arg4[%add3A_374, %dma_start3A_384, %dma_start3A_385] : memref<6400x128x128xf32, #tpu.memory_space<hbm>> -> memref<1x128x128xf32, #tpu.memory_space<hbm>>
      %dma_start3A_387 = tpu.memref_squeeze %dma_start3A_386 : memref<1x128x128xf32, #tpu.memory_space<hbm>> -> memref<128x128xf32, #tpu.memory_space<hbm>>
      %dma_start3A_388 = arith.constant 0 : i32
      %dma_start3A_389 = arith.constant 0 : i32
      %dma_start3A_390 = tpu.memref_slice %arg6[%dma_start3A_375, %dma_start3A_388, %dma_start3A_389] : memref<4x128x128xf32, #tpu.memory_space<vmem>> -> memref<1x128x128xf32, #tpu.memory_space<vmem>>
      %dma_start3A_391 = tpu.memref_squeeze %dma_start3A_390 : memref<1x128x128xf32, #tpu.memory_space<vmem>> -> memref<128x128xf32, #tpu.memory_space<vmem>>
      tpu.enqueue_dma source(%dma_start3A_391 : memref<128x128xf32, #tpu.memory_space<vmem>>) target(%dma_start3A_387 : memref<128x128xf32, #tpu.memory_space<hbm>>) target_semaphore(%arg13 : memref<!tpu.dma_semaphore, #tpu.memory_space<semaphore_mem>>)
      %mul3A_392 = arith.constant 8 : i32
      %mul3A_393 = arith.muli %scan3A_93, %mul3A_392 : i32
      %add3A_394 = arith.constant 7 : i32
      %add3A_395 = arith.addi %mul3A_393, %add3A_394 : i32
      %add3A_396 = arith.constant 1 : i32
      %add3A_397 = arith.addi %add3A_395, %add3A_396 : i32
      %lt3A_398 = arith.constant 200 : i32
      %lt3A_399 = arith.cmpi slt, %add3A_397, %lt3A_398 : i32
      %convert_element_type3A_400 = arith.extui %lt3A_399 : i1 to i32
      %cond3A_401 = arith.constant 0 : i32
      %cond3A_402 = arith.cmpi ne, %convert_element_type3A_400, %cond3A_401 : i32
      scf.if %cond3A_402 {
        %ge3A = arith.constant 3 : i32
        %ge3A_435 = arith.cmpi sge, %add3A_395, %ge3A : i32
        %convert_element_type3A_436 = arith.extui %ge3A_435 : i1 to i32
        %cond3A_437 = arith.constant 0 : i32
        %cond3A_438 = arith.cmpi ne, %convert_element_type3A_436, %cond3A_437 : i32
        scf.if %cond3A_438 {
          %add3A_453 = arith.constant 1 : i32
          %add3A_454 = arith.addi %add3A_395, %add3A_453 : i32
          %sub3A = arith.constant 4 : i32
          %sub3A_455 = arith.subi %add3A_454, %sub3A : i32
          %mul3A_456 = arith.constant 32 : i32
          %mul3A_457 = arith.muli %sub3A_455, %mul3A_456 : i32
          %add3A_458 = arith.addi %mul3A_457, %add3A : i32
          %dma_wait3A_459 = arith.constant 0 : i32
          %dma_wait3A_460 = arith.constant 0 : i32
          %dma_wait3A_461 = arith.constant 0 : i32
          %dma_wait3A_462 = tpu.memref_slice %arg6[%dma_wait3A_459, %dma_wait3A_460, %dma_wait3A_461] : memref<4x128x128xf32, #tpu.memory_space<vmem>> -> memref<1x128x128xf32, #tpu.memory_space<vmem>>
          %dma_wait3A_463 = tpu.memref_squeeze %dma_wait3A_462 : memref<1x128x128xf32, #tpu.memory_space<vmem>> -> memref<128x128xf32, #tpu.memory_space<vmem>>
          %dma_wait3A_464 = arith.constant 0 : i32
          %dma_wait3A_465 = arith.constant 0 : i32
          %dma_wait3A_466 = tpu.memref_slice %arg4[%add3A_458, %dma_wait3A_464, %dma_wait3A_465] : memref<6400x128x128xf32, #tpu.memory_space<hbm>> -> memref<1x128x128xf32, #tpu.memory_space<hbm>>
          %dma_wait3A_467 = tpu.memref_squeeze %dma_wait3A_466 : memref<1x128x128xf32, #tpu.memory_space<hbm>> -> memref<128x128xf32, #tpu.memory_space<hbm>>
          %dma_wait3A_468 = arith.constant 0 : i32
          %dma_wait3A_469 = arith.constant 0 : i32
          %dma_wait3A_470 = tpu.memref_slice %arg4[%add3A_458, %dma_wait3A_468, %dma_wait3A_469] : memref<6400x128x128xf32, #tpu.memory_space<hbm>> -> memref<1x128x128xf32, #tpu.memory_space<hbm>>
          %dma_wait3A_471 = tpu.memref_squeeze %dma_wait3A_470 : memref<1x128x128xf32, #tpu.memory_space<hbm>> -> memref<128x128xf32, #tpu.memory_space<hbm>>
          %dma_wait3A_472 = arith.constant 0 : i32
          %dma_wait3A_473 = arith.constant 0 : i32
          %dma_wait3A_474 = tpu.memref_slice %arg6[%dma_wait3A_459, %dma_wait3A_472, %dma_wait3A_473] : memref<4x128x128xf32, #tpu.memory_space<vmem>> -> memref<1x128x128xf32, #tpu.memory_space<vmem>>
          %dma_wait3A_475 = tpu.memref_squeeze %dma_wait3A_474 : memref<1x128x128xf32, #tpu.memory_space<vmem>> -> memref<128x128xf32, #tpu.memory_space<vmem>>
          tpu.wait_dma2 semaphore(%arg11 : memref<!tpu.dma_semaphore, #tpu.memory_space<semaphore_mem>>) src(%dma_wait3A_475 : memref<128x128xf32, #tpu.memory_space<vmem>>) dst(%dma_wait3A_471 : memref<128x128xf32, #tpu.memory_space<hbm>>)
        } else {
        }
        %add3A_439 = arith.constant 1 : i32
        %add3A_440 = arith.addi %scan3A_93, %add3A_439 : i32
        %dma_start3A_441 = arith.constant 0 : i32
        %dma_start3A_442 = arith.constant 0 : i32
        %dma_start3A_443 = arith.constant 0 : i32
        %dma_start3A_444 = arith.constant 0 : i32
        %dma_start3A_445 = tpu.memref_slice %arg6[%dma_start3A_442, %dma_start3A_443, %dma_start3A_444] : memref<4x128x128xf32, #tpu.memory_space<vmem>> -> memref<1x128x128xf32, #tpu.memory_space<vmem>>
        %dma_start3A_446 = tpu.memref_squeeze %dma_start3A_445 : memref<1x128x128xf32, #tpu.memory_space<vmem>> -> memref<128x128xf32, #tpu.memory_space<vmem>>
        %dma_start3A_447 = arith.constant 0 : i32
        %dma_start3A_448 = tpu.memref_slice %arg5[%add3A_440, %dma_start3A_441, %dma_start3A_447] : memref<25x8x128xi32, #tpu.memory_space<vmem>> -> memref<1x1x128xi32, #tpu.memory_space<vmem>>
        %dma_start3A_449 = tpu.memref_squeeze %dma_start3A_448 : memref<1x1x128xi32, #tpu.memory_space<vmem>> -> memref<128xi32, #tpu.memory_space<vmem>>
        %dma_start3A_450 = arith.constant 0 : i32
        %dma_start3A_451 = arith.constant 0 : i32
        %dma_start3A_452 = tpu.memref_slice %arg3[%dma_start3A_450, %dma_start3A_451] : memref<500000x128xf32, #tpu.memory_space<hbm>> -> memref<500000x128xf32, #tpu.memory_space<hbm>>
        tpu.enqueue_indirect_dma source(%dma_start3A_452 : memref<500000x128xf32, #tpu.memory_space<hbm>>) target(%dma_start3A_446 : memref<128x128xf32, #tpu.memory_space<vmem>>) offsets(%dma_start3A_449 : memref<128xi32, #tpu.memory_space<vmem>>) semaphore(%arg7 : memref<!tpu.dma_semaphore, #tpu.memory_space<semaphore_mem>>)
      } else {
      }
      %dma_wait3A_403 = arith.constant 7 : i32
      %dma_wait3A_404 = arith.constant 3 : i32
      %dma_wait3A_405 = arith.constant 0 : i32
      %dma_wait3A_406 = arith.constant 0 : i32
      %dma_wait3A_407 = tpu.memref_slice %arg6[%dma_wait3A_404, %dma_wait3A_405, %dma_wait3A_406] : memref<4x128x128xf32, #tpu.memory_space<vmem>> -> memref<1x128x128xf32, #tpu.memory_space<vmem>>
      %dma_wait3A_408 = tpu.memref_squeeze %dma_wait3A_407 : memref<1x128x128xf32, #tpu.memory_space<vmem>> -> memref<128x128xf32, #tpu.memory_space<vmem>>
      %dma_wait3A_409 = arith.constant 0 : i32
      %dma_wait3A_410 = tpu.memref_slice %arg5[%scan3A_93, %dma_wait3A_403, %dma_wait3A_409] : memref<25x8x128xi32, #tpu.memory_space<vmem>> -> memref<1x1x128xi32, #tpu.memory_space<vmem>>
      %dma_wait3A_411 = tpu.memref_squeeze %dma_wait3A_410 : memref<1x1x128xi32, #tpu.memory_space<vmem>> -> memref<128xi32, #tpu.memory_space<vmem>>
      %dma_wait3A_412 = arith.constant 0 : i32
      %dma_wait3A_413 = arith.constant 0 : i32
      %dma_wait3A_414 = tpu.memref_slice %arg3[%dma_wait3A_412, %dma_wait3A_413] : memref<500000x128xf32, #tpu.memory_space<hbm>> -> memref<500000x128xf32, #tpu.memory_space<hbm>>
      tpu.wait_indirect_dma semaphore(%arg10 : memref<!tpu.dma_semaphore, #tpu.memory_space<semaphore_mem>>) src(%dma_wait3A_414 : memref<500000x128xf32, #tpu.memory_space<hbm>>) dst(%dma_wait3A_408 : memref<128x128xf32, #tpu.memory_space<vmem>>)
      %mul3A_415 = arith.constant 32 : i32
      %mul3A_416 = arith.muli %add3A_395, %mul3A_415 : i32
      %add3A_417 = arith.addi %mul3A_416, %add3A : i32
      %dma_start3A_418 = arith.constant 3 : i32
      %dma_start3A_419 = arith.constant 0 : i32
      %dma_start3A_420 = arith.constant 0 : i32
      %dma_start3A_421 = tpu.memref_slice %arg6[%dma_start3A_418, %dma_start3A_419, %dma_start3A_420] : memref<4x128x128xf32, #tpu.memory_space<vmem>> -> memref<1x128x128xf32, #tpu.memory_space<vmem>>
      %dma_start3A_422 = tpu.memref_squeeze %dma_start3A_421 : memref<1x128x128xf32, #tpu.memory_space<vmem>> -> memref<128x128xf32, #tpu.memory_space<vmem>>
      %dma_start3A_423 = arith.constant 0 : i32
      %dma_start3A_424 = arith.constant 0 : i32
      %dma_start3A_425 = tpu.memref_slice %arg4[%add3A_417, %dma_start3A_423, %dma_start3A_424] : memref<6400x128x128xf32, #tpu.memory_space<hbm>> -> memref<1x128x128xf32, #tpu.memory_space<hbm>>
      %dma_start3A_426 = tpu.memref_squeeze %dma_start3A_425 : memref<1x128x128xf32, #tpu.memory_space<hbm>> -> memref<128x128xf32, #tpu.memory_space<hbm>>
      %dma_start3A_427 = arith.constant 0 : i32
      %dma_start3A_428 = arith.constant 0 : i32
      %dma_start3A_429 = tpu.memref_slice %arg4[%add3A_417, %dma_start3A_427, %dma_start3A_428] : memref<6400x128x128xf32, #tpu.memory_space<hbm>> -> memref<1x128x128xf32, #tpu.memory_space<hbm>>
      %dma_start3A_430 = tpu.memref_squeeze %dma_start3A_429 : memref<1x128x128xf32, #tpu.memory_space<hbm>> -> memref<128x128xf32, #tpu.memory_space<hbm>>
      %dma_start3A_431 = arith.constant 0 : i32
      %dma_start3A_432 = arith.constant 0 : i32
      %dma_start3A_433 = tpu.memref_slice %arg6[%dma_start3A_418, %dma_start3A_431, %dma_start3A_432] : memref<4x128x128xf32, #tpu.memory_space<vmem>> -> memref<1x128x128xf32, #tpu.memory_space<vmem>>
      %dma_start3A_434 = tpu.memref_squeeze %dma_start3A_433 : memref<1x128x128xf32, #tpu.memory_space<vmem>> -> memref<128x128xf32, #tpu.memory_space<vmem>>
      tpu.enqueue_dma source(%dma_start3A_434 : memref<128x128xf32, #tpu.memory_space<vmem>>) target(%dma_start3A_430 : memref<128x128xf32, #tpu.memory_space<hbm>>) target_semaphore(%arg14 : memref<!tpu.dma_semaphore, #tpu.memory_space<semaphore_mem>>)
    }
    %scan3A_17 = arith.constant 25 : i32
    %add3A_18 = arith.constant 6272 : i32
    %add3A_19 = arith.addi %add3A_18, %add3A : i32
    %dma_wait3A = arith.constant 0 : i32
    %dma_wait3A_20 = arith.constant 0 : i32
    %dma_wait3A_21 = arith.constant 0 : i32
    %dma_wait3A_22 = tpu.memref_slice %arg6[%dma_wait3A, %dma_wait3A_20, %dma_wait3A_21] : memref<4x128x128xf32, #tpu.memory_space<vmem>> -> memref<1x128x128xf32, #tpu.memory_space<vmem>>
    %dma_wait3A_23 = tpu.memref_squeeze %dma_wait3A_22 : memref<1x128x128xf32, #tpu.memory_space<vmem>> -> memref<128x128xf32, #tpu.memory_space<vmem>>
    %dma_wait3A_24 = arith.constant 0 : i32
    %dma_wait3A_25 = arith.constant 0 : i32
    %dma_wait3A_26 = tpu.memref_slice %arg4[%add3A_19, %dma_wait3A_24, %dma_wait3A_25] : memref<6400x128x128xf32, #tpu.memory_space<hbm>> -> memref<1x128x128xf32, #tpu.memory_space<hbm>>
    %dma_wait3A_27 = tpu.memref_squeeze %dma_wait3A_26 : memref<1x128x128xf32, #tpu.memory_space<hbm>> -> memref<128x128xf32, #tpu.memory_space<hbm>>
    %dma_wait3A_28 = arith.constant 0 : i32
    %dma_wait3A_29 = arith.constant 0 : i32
    %dma_wait3A_30 = tpu.memref_slice %arg4[%add3A_19, %dma_wait3A_28, %dma_wait3A_29] : memref<6400x128x128xf32, #tpu.memory_space<hbm>> -> memref<1x128x128xf32, #tpu.memory_space<hbm>>
    %dma_wait3A_31 = tpu.memref_squeeze %dma_wait3A_30 : memref<1x128x128xf32, #tpu.memory_space<hbm>> -> memref<128x128xf32, #tpu.memory_space<hbm>>
    %dma_wait3A_32 = arith.constant 0 : i32
    %dma_wait3A_33 = arith.constant 0 : i32
    %dma_wait3A_34 = tpu.memref_slice %arg6[%dma_wait3A, %dma_wait3A_32, %dma_wait3A_33] : memref<4x128x128xf32, #tpu.memory_space<vmem>> -> memref<1x128x128xf32, #tpu.memory_space<vmem>>
    %dma_wait3A_35 = tpu.memref_squeeze %dma_wait3A_34 : memref<1x128x128xf32, #tpu.memory_space<vmem>> -> memref<128x128xf32, #tpu.memory_space<vmem>>
    tpu.wait_dma2 semaphore(%arg11 : memref<!tpu.dma_semaphore, #tpu.memory_space<semaphore_mem>>) src(%dma_wait3A_35 : memref<128x128xf32, #tpu.memory_space<vmem>>) dst(%dma_wait3A_31 : memref<128x128xf32, #tpu.memory_space<hbm>>)
    %add3A_36 = arith.constant 6304 : i32
    %add3A_37 = arith.addi %add3A_36, %add3A : i32
    %dma_wait3A_38 = arith.constant 1 : i32
    %dma_wait3A_39 = arith.constant 0 : i32
    %dma_wait3A_40 = arith.constant 0 : i32
    %dma_wait3A_41 = tpu.memref_slice %arg6[%dma_wait3A_38, %dma_wait3A_39, %dma_wait3A_40] : memref<4x128x128xf32, #tpu.memory_space<vmem>> -> memref<1x128x128xf32, #tpu.memory_space<vmem>>
    %dma_wait3A_42 = tpu.memref_squeeze %dma_wait3A_41 : memref<1x128x128xf32, #tpu.memory_space<vmem>> -> memref<128x128xf32, #tpu.memory_space<vmem>>
    %dma_wait3A_43 = arith.constant 0 : i32
    %dma_wait3A_44 = arith.constant 0 : i32
    %dma_wait3A_45 = tpu.memref_slice %arg4[%add3A_37, %dma_wait3A_43, %dma_wait3A_44] : memref<6400x128x128xf32, #tpu.memory_space<hbm>> -> memref<1x128x128xf32, #tpu.memory_space<hbm>>
    %dma_wait3A_46 = tpu.memref_squeeze %dma_wait3A_45 : memref<1x128x128xf32, #tpu.memory_space<hbm>> -> memref<128x128xf32, #tpu.memory_space<hbm>>
    %dma_wait3A_47 = arith.constant 0 : i32
    %dma_wait3A_48 = arith.constant 0 : i32
    %dma_wait3A_49 = tpu.memref_slice %arg4[%add3A_37, %dma_wait3A_47, %dma_wait3A_48] : memref<6400x128x128xf32, #tpu.memory_space<hbm>> -> memref<1x128x128xf32, #tpu.memory_space<hbm>>
    %dma_wait3A_50 = tpu.memref_squeeze %dma_wait3A_49 : memref<1x128x128xf32, #tpu.memory_space<hbm>> -> memref<128x128xf32, #tpu.memory_space<hbm>>
    %dma_wait3A_51 = arith.constant 0 : i32
    %dma_wait3A_52 = arith.constant 0 : i32
    %dma_wait3A_53 = tpu.memref_slice %arg6[%dma_wait3A_38, %dma_wait3A_51, %dma_wait3A_52] : memref<4x128x128xf32, #tpu.memory_space<vmem>> -> memref<1x128x128xf32, #tpu.memory_space<vmem>>
    %dma_wait3A_54 = tpu.memref_squeeze %dma_wait3A_53 : memref<1x128x128xf32, #tpu.memory_space<vmem>> -> memref<128x128xf32, #tpu.memory_space<vmem>>
    tpu.wait_dma2 semaphore(%arg12 : memref<!tpu.dma_semaphore, #tpu.memory_space<semaphore_mem>>) src(%dma_wait3A_54 : memref<128x128xf32, #tpu.memory_space<vmem>>) dst(%dma_wait3A_50 : memref<128x128xf32, #tpu.memory_space<hbm>>)
    %add3A_55 = arith.constant 6336 : i32
    %add3A_56 = arith.addi %add3A_55, %add3A : i32
    %dma_wait3A_57 = arith.constant 2 : i32
    %dma_wait3A_58 = arith.constant 0 : i32
    %dma_wait3A_59 = arith.constant 0 : i32
    %dma_wait3A_60 = tpu.memref_slice %arg6[%dma_wait3A_57, %dma_wait3A_58, %dma_wait3A_59] : memref<4x128x128xf32, #tpu.memory_space<vmem>> -> memref<1x128x128xf32, #tpu.memory_space<vmem>>
    %dma_wait3A_61 = tpu.memref_squeeze %dma_wait3A_60 : memref<1x128x128xf32, #tpu.memory_space<vmem>> -> memref<128x128xf32, #tpu.memory_space<vmem>>
    %dma_wait3A_62 = arith.constant 0 : i32
    %dma_wait3A_63 = arith.constant 0 : i32
    %dma_wait3A_64 = tpu.memref_slice %arg4[%add3A_56, %dma_wait3A_62, %dma_wait3A_63] : memref<6400x128x128xf32, #tpu.memory_space<hbm>> -> memref<1x128x128xf32, #tpu.memory_space<hbm>>
    %dma_wait3A_65 = tpu.memref_squeeze %dma_wait3A_64 : memref<1x128x128xf32, #tpu.memory_space<hbm>> -> memref<128x128xf32, #tpu.memory_space<hbm>>
    %dma_wait3A_66 = arith.constant 0 : i32
    %dma_wait3A_67 = arith.constant 0 : i32
    %dma_wait3A_68 = tpu.memref_slice %arg4[%add3A_56, %dma_wait3A_66, %dma_wait3A_67] : memref<6400x128x128xf32, #tpu.memory_space<hbm>> -> memref<1x128x128xf32, #tpu.memory_space<hbm>>
    %dma_wait3A_69 = tpu.memref_squeeze %dma_wait3A_68 : memref<1x128x128xf32, #tpu.memory_space<hbm>> -> memref<128x128xf32, #tpu.memory_space<hbm>>
    %dma_wait3A_70 = arith.constant 0 : i32
    %dma_wait3A_71 = arith.constant 0 : i32
    %dma_wait3A_72 = tpu.memref_slice %arg6[%dma_wait3A_57, %dma_wait3A_70, %dma_wait3A_71] : memref<4x128x128xf32, #tpu.memory_space<vmem>> -> memref<1x128x128xf32, #tpu.memory_space<vmem>>
    %dma_wait3A_73 = tpu.memref_squeeze %dma_wait3A_72 : memref<1x128x128xf32, #tpu.memory_space<vmem>> -> memref<128x128xf32, #tpu.memory_space<vmem>>
    tpu.wait_dma2 semaphore(%arg13 : memref<!tpu.dma_semaphore, #tpu.memory_space<semaphore_mem>>) src(%dma_wait3A_73 : memref<128x128xf32, #tpu.memory_space<vmem>>) dst(%dma_wait3A_69 : memref<128x128xf32, #tpu.memory_space<hbm>>)
    %add3A_74 = arith.constant 6368 : i32
    %add3A_75 = arith.addi %add3A_74, %add3A : i32
    %dma_wait3A_76 = arith.constant 3 : i32
    %dma_wait3A_77 = arith.constant 0 : i32
    %dma_wait3A_78 = arith.constant 0 : i32
    %dma_wait3A_79 = tpu.memref_slice %arg6[%dma_wait3A_76, %dma_wait3A_77, %dma_wait3A_78] : memref<4x128x128xf32, #tpu.memory_space<vmem>> -> memref<1x128x128xf32, #tpu.memory_space<vmem>>
    %dma_wait3A_80 = tpu.memref_squeeze %dma_wait3A_79 : memref<1x128x128xf32, #tpu.memory_space<vmem>> -> memref<128x128xf32, #tpu.memory_space<vmem>>
    %dma_wait3A_81 = arith.constant 0 : i32
    %dma_wait3A_82 = arith.constant 0 : i32
    %dma_wait3A_83 = tpu.memref_slice %arg4[%add3A_75, %dma_wait3A_81, %dma_wait3A_82] : memref<6400x128x128xf32, #tpu.memory_space<hbm>> -> memref<1x128x128xf32, #tpu.memory_space<hbm>>
    %dma_wait3A_84 = tpu.memref_squeeze %dma_wait3A_83 : memref<1x128x128xf32, #tpu.memory_space<hbm>> -> memref<128x128xf32, #tpu.memory_space<hbm>>
    %dma_wait3A_85 = arith.constant 0 : i32
    %dma_wait3A_86 = arith.constant 0 : i32
    %dma_wait3A_87 = tpu.memref_slice %arg4[%add3A_75, %dma_wait3A_85, %dma_wait3A_86] : memref<6400x128x128xf32, #tpu.memory_space<hbm>> -> memref<1x128x128xf32, #tpu.memory_space<hbm>>
    %dma_wait3A_88 = tpu.memref_squeeze %dma_wait3A_87 : memref<1x128x128xf32, #tpu.memory_space<hbm>> -> memref<128x128xf32, #tpu.memory_space<hbm>>
    %dma_wait3A_89 = arith.constant 0 : i32
    %dma_wait3A_90 = arith.constant 0 : i32
    %dma_wait3A_91 = tpu.memref_slice %arg6[%dma_wait3A_76, %dma_wait3A_89, %dma_wait3A_90] : memref<4x128x128xf32, #tpu.memory_space<vmem>> -> memref<1x128x128xf32, #tpu.memory_space<vmem>>
    %dma_wait3A_92 = tpu.memref_squeeze %dma_wait3A_91 : memref<1x128x128xf32, #tpu.memory_space<vmem>> -> memref<128x128xf32, #tpu.memory_space<vmem>>
    tpu.wait_dma2 semaphore(%arg14 : memref<!tpu.dma_semaphore, #tpu.memory_space<semaphore_mem>>) src(%dma_wait3A_92 : memref<128x128xf32, #tpu.memory_space<vmem>>) dst(%dma_wait3A_88 : memref<128x128xf32, #tpu.memory_space<hbm>>)
    return
  }
}

</mosaic_0001>

<sc_bundles>
// kernel: _sc_gather.3.cloned.1.call-start
scs
__scs_entry_jumppad:
0x0: {  	(pc) =	sbr.rel $0x88, $3  }
0x1: {  	(tag) =	ssettag $0x0;
	lr =	simm.s32 $0x1  }
0x2: {  	[smem:$0x3F9F] =	sst lr;
	_ =	strace $0xD0000000  }
0x3: {  	_ = 	snop  }
0x4: {  	_ = 	snop  }
0x5: {  	_ = 	snop  }
0x6: {  	_ = 	snop  }
0x7: {  	_ = 	snop  }
__scs_overlays_trampoline_lowered:
0x8: {  	[smem:$0x3FAE] =	sst s0  }
0x9: {  	[smem:$0x3FAF] =	sst s1  }
0xa: {  	[smem:$0x3FB0] =	sst s2  }
0xb: {  	[smem:$0x3FB1] =	sst s3  }
0xc: {  	[smem:$0x3FB2] =	sst s4  }
0xd: {  	[smem:$0x3FB3] =	sst s5  }
0xe: {  	[smem:$0x3FB4] =	sst s6  }
0xf: {  	[smem:$0x3FB5] =	sst s7  }
0x10: {  	[smem:$0x3FB6] =	sst s8  }
0x11: {  	[smem:$0x3FB7] =	sst s9;
	s0 =	simm.s32 @!p0 $0x0  }
0x12: {  	s1 =	sld [smem:$0x3F9D];
	s0 =	simm.s32 @p0 $0x1  }
0x13: {  	[smem:$0x3FB8] =	sst s0;
	s0 =	simm.s32 @!p1 $0x0  }
0x14: {  	s2 =	sld [smem:$0x3F9C];
	s0 =	simm.s32 @p1 $0x1  }
0x15: {  	[smem:$0x3FB9] =	sst s0;
	s0 =	simm.s32 @!p2 $0x0  }
0x16: {  	s3 =	sld [smem:$0x3FDB];
	s0 =	simm.s32 @p2 $0x1  }
0x17: {  	s4 =	simm.s32 $0x1BF5;
	[smem:$0x3FBB] =	sst s0  }
0x18: {  	s0 =	sld [smem:$0x3F9E];
	_ =	swait.ge [sflag:s4], $0x0  }
0x19: {  	s7 =	sld [smem:$0x3F9F]  }
0x1a: {  	s8 =	sadd.s32 $0xFFFFE003, lr  }
0x1b: {  	s9 =	sadd.s32 $0xFFFFFEF7, lr;
	s5 =	simm.s32 $0xFFFFFFFF;
	p2 =	slt.u32 s8, $0xFFFFF086  }
0x1c: {  	p1 =	slt.u32 s9, $0xF7A;
	s5 =	simm.s32 @!p2 $0x0  }
0x1d: {  	s5 =	simm.s32 @p1 $0x1;
	p0 =	seq.s32 s7, s2  }
0x1e: {  	s7 =	smul.u32 @!p0 $0xF7A, s2;
	p2 =	seq.s32 @!p0 s5, $0x0  }
0x1f: {  	s9 =	smul.u32 $0xF7A, s1;
	s8 =	simm.s32 @!p0 $0x1BF5;
	p2 =	por !p2, p0  }
0x20: {  	[sflag:s8] =	ssyncset.s32 @!p0 $0xFFFFF086;
	s6 =	sadd.s32 @!p0 s3, s7;
	s7 =	simm.s32 @!p0 $0x108  }
0x21: {  	s3 =	sadd.s32 s3, s9;
	s6 =	sadd.s32 @!p0 $0x88, s6;
	s7 =	simm.s32 @p2 $0x1082  }
0x22: {  	[simem:s7], [sflag:s8] =	dma.local @!p0 [hbm:s6], $0xF7A  }
0x23: {  	s9 =	sor.u32 $0xD0000000, s2;
	s6 =	simm.s32 $0x108;
	_ =	swait.ge @!p0 [sflag:s8], $0x0  }
0x24: {  	s3 =	sadd.s32 $0x88, s3;
	s6 =	simm.s32 @!p1 $0x1082;
	[sflag:s4] =	ssyncset.s32 $0xFFFFF086  }
0x25: {  	[simem:s6], [sflag:s4] =	dma.local [hbm:s3], $0xF7A  }
0x26: {  	[smem:$0x3F9F] =	sst s1;
	(tag) =	ssettag s2;
	_ =	strace s9  }
0x27: {  	s1 =	sld [smem:$0x3FAF]  }
0x28: {  	s2 =	sld [smem:$0x3FB0]  }
0x29: {  	s4 =	sld [smem:$0x3FB2]  }
0x2a: {  	p0 =	seq.s32 s5, $0x0;
	s5 =	sld [smem:$0x3FB3]  }
0x2b: {  	s6 =	sld [smem:$0x3FB4]  }
0x2c: {  	s7 =	sld [smem:$0x3FB5]  }
0x2d: {  	s3 =	simm.s32 $0x108;
	s8 =	sld [smem:$0x3FB6]  }
0x2e: {  	s3 =	simm.s32 @!p0 $0x1082;
	s9 =	sld [smem:$0x3FB7]  }
0x2f: {  	lr =	sadd.s32 s0, s3;
	s0 =	sld [smem:$0x3FAE]  }
0x30: {  	s3 =	sld [smem:$0x3FB1]  }
0x31: {  	[smem:$0x3FBA] =	sst s10  }
0x32: {  	s10 =	sld [smem:$0x3FB8];
	_ =	sdelay $0x3  }
0x33: {  	p0 =	seq.s32 s10, $0x1;
	s10 =	sld [smem:$0x3FBA];
	_ =	sdelay $0x3  }
0x34: {  	[smem:$0x3FBA] =	sst s10  }
0x35: {  	s10 =	sld [smem:$0x3FB9];
	_ =	sdelay $0x3  }
0x36: {  	p1 =	seq.s32 s10, $0x1;
	s10 =	sld [smem:$0x3FBA];
	_ =	sdelay $0x3  }
0x37: {  	[smem:$0x3FBA] =	sst s10  }
0x38: {  	s10 =	sld [smem:$0x3FBB]  }
0x39: {  	_ = 	snop;
	(pc) =	sbr.ind lr, $3  }
0x3a: {  	_ = 	snop  }
0x3b: {  	_ = 	snop  }
0x3c: {  	p2 =	seq.s32 s10, $0x1;
	s10 =	sld [smem:$0x3FBA]  }
0x3d: {  	_ =	shalt  }
0x3e: {  	_ =	shalt  }
0x3f: {  	_ =	shalt  }
0x40: {  	_ =	shalt  }
0x41: {  	_ =	shalt  }
0x42: {  	_ =	shalt  }
0x43: {  	_ =	shalt  }
0x44: {  	_ =	shalt  }
0x45: {  	_ =	shalt  }
0x46: {  	_ =	shalt  }
0x47: {  	_ =	shalt  }
0x48: {  	_ =	shalt  }
0x49: {  	_ =	shalt  }
0x4a: {  	_ =	shalt  }
0x4b: {  	_ =	shalt  }
0x4c: {  	_ =	shalt  }
0x4d: {  	_ =	shalt  }
0x4e: {  	_ =	shalt  }
0x4f: {  	_ =	shalt  }
0x50: {  	_ =	shalt  }
0x51: {  	_ =	shalt  }
0x52: {  	_ =	shalt  }
0x53: {  	_ =	shalt  }
0x54: {  	_ =	shalt  }
0x55: {  	_ =	shalt  }
0x56: {  	_ =	shalt  }
0x57: {  	_ =	shalt  }
0x58: {  	_ =	shalt  }
0x59: {  	_ =	shalt  }
0x5a: {  	_ =	shalt  }
0x5b: {  	_ =	shalt  }
0x5c: {  	_ =	shalt  }
0x5d: {  	_ =	shalt  }
0x5e: {  	_ =	shalt  }
0x5f: {  	_ =	shalt  }
0x60: {  	_ =	shalt  }
0x61: {  	_ =	shalt  }
0x62: {  	_ =	shalt  }
0x63: {  	_ =	shalt  }
0x64: {  	_ =	shalt  }
0x65: {  	_ =	shalt  }
0x66: {  	_ =	shalt  }
0x67: {  	_ =	shalt  }
0x68: {  	_ =	shalt  }
0x69: {  	_ =	shalt  }
0x6a: {  	_ =	shalt  }
0x6b: {  	_ =	shalt  }
0x6c: {  	_ =	shalt  }
0x6d: {  	_ =	shalt  }
0x6e: {  	_ =	shalt  }
0x6f: {  	_ =	shalt  }
0x70: {  	_ =	shalt  }
0x71: {  	_ =	shalt  }
0x72: {  	_ =	shalt  }
0x73: {  	_ =	shalt  }
0x74: {  	_ =	shalt  }
0x75: {  	_ =	shalt  }
0x76: {  	_ =	shalt  }
0x77: {  	_ =	shalt  }
0x78: {  	_ =	shalt  }
0x79: {  	_ =	shalt  }
0x7a: {  	_ =	shalt  }
0x7b: {  	_ =	shalt  }
0x7c: {  	_ =	shalt  }
0x7d: {  	_ =	shalt  }
0x7e: {  	_ =	shalt  }
0x7f: {  	_ =	shalt  }
0x80: {  	_ =	shalt  }
0x81: {  	_ =	shalt  }
0x82: {  	_ =	shalt  }
0x83: {  	_ =	shalt  }
0x84: {  	_ =	shalt  }
0x85: {  	_ =	shalt  }
0x86: {  	_ =	shalt  }
0x87: {  	_ =	shalt  }
.Lfunc_end0:
.L_simem_size_0:
called_computation_lowered:
.L_overlay_start_0:
0x88: {  	s2 =	sld [smem:$0x3FD9]  }
0x89: {  	s3 =	sld [smem:$0x3FFE];
	_ =	sdelay $0x1  }
0x8a: {  	s1 =	srdreg.scid  }
0x8b: {  	s0 =	sand.u32 $0x1, s1  }
0x8c: {  	s18 =	sshll.u32 s0, $0xA;
	s2 =	sadd.s32 s3, s2  }
0x8d: {  	s2 =	sadd.s32 s2, s18  }
0x8e: {  	[smem:$0x3FC6] =	sst s2  }
0x8f: {  	_ = 	snop  }
0x90: {  	s2 =	sld [smem:$0x3FC9]  }
0x91: {  	s19 =	sld [smem:$0x3FC8]  }
0x92: {  	s4 =	sld [smem:$0x3FD0];
	(tm) =	ssettm $0x1  }
0x93: {  	s5 =	sld [smem:$0x3FFB];
	_ =	sdelay $0x3  }
0x94: {  	_ =	strace s5  }
0x95: {  	s5 =	sld [smem:$0x3FFC];
	_ =	sdelay $0x3  }
0x96: {  	_ =	strace s5  }
0x97: {  	s5 =	sld [smem:$0x3FFD];
	_ =	sdelay $0x3  }
0x98: {  	_ =	strace s5  }
0x99: {  	_ =	strace $0x8FFFFFFF  }
0x9a: {  	s20 =	sld [smem:$0x3FDB];
	_ =	sdelay $0x1  }
0x9b: {  	s6 =	simm.s32 $_scs_section_size  }
0x9c: {  	s7 =	simm.s32 $_size__tile_overlayer_lowered;
	s8 =	simm.s32 $_tile_overlayer_lowered  }
0x9d: {  	s23 =	simm.s32 $0x1BFF;
	s22 =	sshll.u32 s8, $0x1;
	s5 =	sadd.s32 s6, s20  }
0x9e: {  	s9 =	simm.s32 $0x0;
	s21 =	sshll.u32 s7, $0x1;
	s7 =	sadd.s32 s22, s5  }
0x9f: {  	[timem:s9], [sflag:s23] =	dma.local [hbm:s7], s21  }
0xa0: {  	_ =	swait.ge [sflag:s23], s21  }
0xa1: {  	s6 =	ssub.s32 $0x0, s21;
	[sflag:s23] =	ssyncset.done $0x0  }
0xa2: {  	[sflag:s23] =	ssyncadd.s32 s6;
	_ =	sdelay $0x1  }
0xa3: {  	s24 =	simm.s32 $0x1B8B  }
0xa4: {  	_ =	swait.ge [sflag:s24], $0x1  }
0xa5: {  	[sflag:s24] =	ssyncset.done $0x0  }
0xa6: {  	s25 =	simm.s32 $0x1B8E;
	[sflag:s24] =	ssyncadd.s32 $0xFFFFFFFF  }
0xa7: {  	s26 =	simm.s32 $execute0_lowered;
	[smem:$0x3FD2] =	sst s25  }
0xa8: {  	s6 =	sshll.u32 s26, $0x1;
	_ =	strace $0x80000046;
	[dreg:$0x1] =	wrdreg $0xFFFFFFFF  }
0xa9: {  	s28 =	simm.s32 $_size_execute0_lowered;
	s5 =	sadd.s32 s5, s6;
	[dreg:$0x0] =	wrdreg $0x0  }
0xaa: {  	s6 =	sshll.u32 s28, $0x1;
	[dreg:$0x2] =	wrdreg s5  }
0xab: {  	[dreg:$0x3] =	wrdreg s6  }
0xac: {  	[dreg:$0x4] =	wrdreg $0xC0  }
0xad: {  	_ =	task [dreg:s9], $0x5FFFF  }
0xae: {  	[dreg:$0x1] =	wrdreg $0xFFFFFFFF  }
0xaf: {  	[dreg:$0x0] =	wrdreg $0x60  }
0xb0: {  	[dreg:$0x2] =	wrdreg s2  }
0xb1: {  	[dreg:$0x3] =	wrdreg s19  }
0xb2: {  	[dreg:$0x4] =	wrdreg s4  }
0xb3: {  	[dreg:$0x5] =	wrdreg $0x9  }
0xb4: {  	_ =	task.clear_ibuf [dreg:s9], $0x6FFFF;
	_ =	strace $0x90000046  }
0xb5: {  	s29 =	simm.s32 $0x9;
	_ =	strace $0x80000048  }
0xb6: {  	_ =	swait.ge [sflag:s29], $0x1  }
0xb7: {  	[sflag:s29] =	ssyncadd.s32 $0xFFFFFFFF  }
0xb8: {  	_ =	strace $0x90000048  }
0xb9: {  	_ =	sfence  }
0xba: {  	s30 =	sld [smem:$0x0];
	_ =	sdelay $0x2  }
0xbb: {  	s31 =	sshll.u32 s1, $0xD;
	s1 =	sshrl.u32 s1, $0x2  }
0xbc: {  	s3 =	sand.u32 $0x4000, s31;
	s1 =	sadd.s32 s1, s30  }
0xbd: {  	s0 =	sor.u32 s3, s0;
	s1 =	sshll.u32 s1, $0x11  }
0xbe: {  	s0 =	sor.u32 s1, s0  }
0xbf: {  	s0 =	sadd.s32 $0x8F2B, s0  }
0xc0: {  	[sflag:s0] =	ssyncadd.remote.s32 $0x1  }
0xc1: {  	_ =	sfence.sel $0xFFFF  }
0xc2: {  	[dreg:$0x0] =	wrdreg $0xFFFFFFFF;
	(pc) =	sbr.abs _section_cstart, $3  }
0xc3: {  	[dreg:$0x1] =	wrdreg $0xFFFFFFFF  }
0xc4: {  	_ =	task.clear_ibuf [dreg:s9], $0x2FFFF;
	_ =	strace $0x9FFFFFFF  }
0xc5: {  	(tm) =	ssettm $0x7FFFFFFF  }
tec
execute0_lowered:
.L_overlay_start_1:
0x0: {  	(tag) =	ssettag $0x1  }
0x1: {  	s0 =	rddreg [dreg:$0x0]  }
0x2: {  	s1 =	rddreg [dreg:$0x1]  }
0x3: {  	s6 =	rddreg [dreg:$0x2];
	s3 =	simm.s32 $0x0;
	s4 =	srdreg.scid  }
0x4: {  	s2 =	stileid.u32;
	s10 =	simm.s32 $0x80;
	s11 =	simm.s32 $0x6400  }
0x5: {  	s12 =	simm.s32 $0xA400;
	s13 =	simm.s32 $0x1;
	s14 =	simm.s32 $0x12400  }
0x6: {  	s15 =	simm.s32 $0x3;
	s16 =	simm.s32 $0xE400;
	s17 =	simm.s32 $0x5  }
0x7: {  	s18 =	simm.s32 $0x4;
	s19 =	simm.s32 $0x6;
	s20 =	simm.s32 $0x7  }
0x8: {  	s21 =	simm.s32 $0x2;
	s22 =	simm.s32 $0x8;
	s23 =	simm.s32 $0x0  }
0x9: {  	[smem:$0x7FF] =	sst s3;
	s7 =	sand.u32 $0x1, s4;
	s5 =	sshll.u32 s2, $0x8  }
0xa: {  	s29 =	sshll.u32 s2, $0xC;
	s4 =	ssub.s32 $0x2, s7;
	s8 =	sshll.u32 s7, $0x7  }
0xb: {  	_ =	strace $0x80000047;
	s9 =	sshrl.u32 s4, $0x1;
	s5 =	sor.u32 s8, s5  }
0xc: {  	s31 =	sshll.u32 s7, $0xB;
	s28 =	ssub.s32 s4, s9;
	s0 =	sadd.s32 s0, s5  }
0xd: {  	[dreg:$0x4] =	wrdreg s0;
	s30 =	smax.u32 s28, $0x1;
	s0 =	sadd.s32 s29, s6  }
0xe: {  	s9 =	simm.s32 $0x9;
	[dreg:$0x5] =	wrdreg s30;
	s6 =	sadd.s32 s31, s0  }
.LBB2_1:
0xf: {  	s0 =	rddreg [dreg:$0x4];
	s2 =	simm.s32 $0x400;
	s4 =	simm.s32 $0x8000  }
0x10: {  	[tilespmem:s3], [sflag:$0x9] =	stream.strided.gather [hbm4b:s0+s2], $0x6400, s4, s2, $0x38;
	[tilespmem:$0x16400] =	vst v63  }
0x11: {  	_ =	swait.ge [sflag:s9], $0x6400  }
0x12: {  	p0 =	por $0x1, $0x1;
	[sflag:s9] =	ssyncset.done $0x0  }
0x13: {  	s0 =	simm.s32 @!p0 $0x6;
	[sflag:s9] =	ssyncadd.s32 $0xFFFF9C00  }
0x14: {  	[tilespmem:s11], [sflag:$0x1] =	stream.indirect.gather [hbm4b:s1+s10], $0x80, s3, s10, $0xb8;
	[tilespmem:$0x16400] =	vst v63  }
0x15: {  	_ =	swait.ge @!p0 [sflag:s0], $0x4000  }
0x16: {  	[sflag:s0] =	ssyncset.done @!p0 $0x0  }
0x17: {  	s24 =	simm.s32 $0x80;
	[sflag:s0] =	ssyncadd.s32 @!p0 $0xFFFFC000  }
0x18: {  	[tilespmem:s12], [sflag:$0x2] =	stream.indirect.gather [hbm4b:s1+s10], $0x80, s24, s10, $0xb8;
	[tilespmem:$0x16400] =	vst v63  }
0x19: {  	_ =	swait.ge [sflag:s13], $0x4000  }
0x1a: {  	[sflag:s13] =	ssyncset.done $0x0  }
0x1b: {  	s25 =	simm.s32 @p0 $0x80;
	[sflag:s13] =	ssyncadd.s32 $0xFFFFC000  }
0x1c: {  	[hbm4b:s6+s3] =	stream.linear.scatter [tilespmem:s11], [sflag:$0x5], $0x4000, $0x38;
	[tilespmem:$0x16400] =	vst v63  }
0x1d: {  	s26 =	simm.s32 @p0 $0xE400;
	s0 =	simm.s32 @p0 $0x2;
	s24 =	simm.s32 @p0 $0x100  }
0x1e: {  	[tilespmem:s26], [sflag:$0x3] =	stream.indirect.gather @p0 [hbm4b:s1+s25], $0x80, s24, s25, $0xb8;
	[tilespmem:$0x16400] =	vst v63  }
0x1f: {  	_ =	swait.ge @p0 [sflag:s0], $0x4000  }
0x20: {  	s28 =	simm.s32 @p0 $0x0;
	s24 =	simm.s32 @p0 $0xA400;
	[sflag:s0] =	ssyncset.done @p0 $0x0  }
0x21: {  	s25 =	simm.s32 @!p0 $0x7;
	s26 =	sadd.s32 @p0 $0x10000, s6;
	[sflag:s0] =	ssyncadd.s32 @p0 $0xFFFFC000  }
0x22: {  	[hbm4b:s26+s28] =	stream.linear.scatter @p0 [tilespmem:s24], [sflag:$0x6], $0x4000, $0x38;
	[tilespmem:$0x16400] =	vst v63  }
0x23: {  	_ =	swait.ge @!p0 [sflag:s25], $0x4000  }
0x24: {  	s0 =	simm.s32 @!p0 $0xE400;
	s24 =	simm.s32 @!p0 $0x100;
	[sflag:s25] =	ssyncset.done @!p0 $0x0  }
0x25: {  	s26 =	simm.s32 @!p0 $0x80;
	[sflag:s25] =	ssyncadd.s32 @!p0 $0xFFFFC000;
	s25 =	simm.s32 @!p0 $0x2  }
0x26: {  	[tilespmem:s0], [sflag:$0x3] =	stream.indirect.gather @!p0 [hbm4b:s1+s26], $0x80, s24, s26, $0xb8;
	[tilespmem:$0x16400] =	vst v63  }
0x27: {  	_ =	swait.ge @!p0 [sflag:s25], $0x4000  }
0x28: {  	s28 =	simm.s32 @!p0 $0x0;
	s0 =	simm.s32 @!p0 $0xA400;
	[sflag:s25] =	ssyncset.done @!p0 $0x0  }
0x29: {  	s24 =	simm.s32 @!p0 $0x8;
	s26 =	sadd.s32 @!p0 $0x10000, s6;
	[sflag:s25] =	ssyncadd.s32 @!p0 $0xFFFFC000  }
0x2a: {  	[hbm4b:s26+s28] =	stream.linear.scatter @!p0 [tilespmem:s0], [sflag:$0x6], $0x4000, $0x38;
	[tilespmem:$0x16400] =	vst v63  }
0x2b: {  	_ =	swait.ge @!p0 [sflag:s24], $0x4000  }
0x2c: {  	[sflag:s24] =	ssyncset.done @!p0 $0x0  }
0x2d: {  	s31 =	simm.s32 $0x180;
	[sflag:s24] =	ssyncadd.s32 @!p0 $0xFFFFC000  }
0x2e: {  	[tilespmem:s14], [sflag:$0x4] =	stream.indirect.gather [hbm4b:s1+s10], $0x80, s31, s10, $0xb8;
	[tilespmem:$0x16400] =	vst v63  }
0x2f: {  	_ =	swait.ge [sflag:s15], $0x4000  }
0x30: {  	[sflag:s15] =	ssyncset.done $0x0  }
0x31: {  	s2 =	sadd.s32 $0x20000, s6;
	[sflag:s15] =	ssyncadd.s32 $0xFFFFC000  }
0x32: {  	[hbm4b:s2+s3] =	stream.linear.scatter [tilespmem:s16], [sflag:$0x7], $0x4000, $0x38;
	[tilespmem:$0x16400] =	vst v63  }
0x33: {  	_ =	swait.ge [sflag:s17], $0x4000  }
0x34: {  	[sflag:s17] =	ssyncset.done $0x0  }
0x35: {  	s4 =	simm.s32 $0x200;
	[sflag:s17] =	ssyncadd.s32 $0xFFFFC000  }
0x36: {  	[tilespmem:s11], [sflag:$0x1] =	stream.indirect.gather [hbm4b:s1+s10], $0x80, s4, s10, $0xb8;
	[tilespmem:$0x16400] =	vst v63  }
0x37: {  	_ =	swait.ge [sflag:s18], $0x4000  }
0x38: {  	[sflag:s18] =	ssyncset.done $0x0  }
0x39: {  	s5 =	sadd.s32 $0x30000, s6;
	[sflag:s18] =	ssyncadd.s32 $0xFFFFC000  }
0x3a: {  	[hbm4b:s5+s3] =	stream.linear.scatter [tilespmem:s14], [sflag:$0x8], $0x4000, $0x38;
	[tilespmem:$0x16400] =	vst v63  }
0x3b: {  	_ =	swait.ge [sflag:s19], $0x4000  }
0x3c: {  	[sflag:s19] =	ssyncset.done $0x0  }
0x3d: {  	s7 =	simm.s32 $0x280;
	[sflag:s19] =	ssyncadd.s32 $0xFFFFC000  }
0x3e: {  	[tilespmem:s12], [sflag:$0x2] =	stream.indirect.gather [hbm4b:s1+s10], $0x80, s7, s10, $0xb8;
	[tilespmem:$0x16400] =	vst v63  }
0x3f: {  	_ =	swait.ge [sflag:s13], $0x4000  }
0x40: {  	[sflag:s13] =	ssyncset.done $0x0  }
0x41: {  	s8 =	sadd.s32 $0x40000, s6;
	[sflag:s13] =	ssyncadd.s32 $0xFFFFC000  }
0x42: {  	[hbm4b:s8+s3] =	stream.linear.scatter [tilespmem:s11], [sflag:$0x5], $0x4000, $0x38;
	[tilespmem:$0x16400] =	vst v63  }
0x43: {  	_ =	swait.ge [sflag:s20], $0x4000  }
0x44: {  	[sflag:s20] =	ssyncset.done $0x0  }
0x45: {  	s24 =	simm.s32 $0x300;
	[sflag:s20] =	ssyncadd.s32 $0xFFFFC000  }
0x46: {  	[tilespmem:s16], [sflag:$0x3] =	stream.indirect.gather [hbm4b:s1+s10], $0x80, s24, s10, $0xb8;
	[tilespmem:$0x16400] =	vst v63  }
0x47: {  	_ =	swait.ge [sflag:s21], $0x4000  }
0x48: {  	[sflag:s21] =	ssyncset.done $0x0  }
0x49: {  	s25 =	sadd.s32 $0x50000, s6;
	[sflag:s21] =	ssyncadd.s32 $0xFFFFC000  }
0x4a: {  	[hbm4b:s25+s3] =	stream.linear.scatter [tilespmem:s12], [sflag:$0x6], $0x4000, $0x38;
	[tilespmem:$0x16400] =	vst v63  }
0x4b: {  	_ =	swait.ge [sflag:s22], $0x4000  }
0x4c: {  	[sflag:s22] =	ssyncset.done $0x0  }
0x4d: {  	s26 =	simm.s32 $0x380;
	[sflag:s22] =	ssyncadd.s32 $0xFFFFC000  }
0x4e: {  	[tilespmem:s14], [sflag:$0x4] =	stream.indirect.gather [hbm4b:s1+s10], $0x80, s26, s10, $0xb8;
	[tilespmem:$0x16400] =	vst v63  }
0x4f: {  	p1 =	por $0x0, $0x0;
	_ =	swait.ge [sflag:s15], $0x4000  }
0x50: {  	p0 =	por $0x0, $0x0;
	s31 =	sadd.s32 $0x60000, s6;
	[sflag:s15] =	ssyncset.done $0x0  }
0x51: {  	s0 =	simm.s32 @!p0 $0x400;
	s24 =	simm.s32 @!p0 $0x5;
	[sflag:s15] =	ssyncadd.s32 $0xFFFFC000  }
0x52: {  	[hbm4b:s31+s3] =	stream.linear.scatter [tilespmem:s16], [sflag:$0x7], $0x4000, $0x38;
	[tilespmem:$0x16400] =	vst v63  }
0x53: {  	s28 =	simm.s32 @!p0 $0x80;
	s29 =	simm.s32 @!p0 $0x6400;
	_ =	swait.ge @!p0 [sflag:s24], $0x4000  }
0x54: {  	s25 =	simm.s32 $0x1000;
	s26 =	sadd.s32 $0x80000, s6;
	[sflag:s24] =	ssyncset.done @!p0 $0x0  }
0x55: {  	s30 =	sadd.s32 $0x80000, s26;
	[sflag:s24] =	ssyncadd.s32 @!p0 $0xFFFFC000;
	s24 =	sadd.s32 $0x70000, s26  }
0x56: {  	[tilespmem:s29], [sflag:$0x1] =	stream.indirect.gather @!p0 [hbm4b:s1+s28], $0x80, s0, s28, $0xb8;
	[tilespmem:$0x16400] =	vst v63  }
0x57: {  	s28 =	sadd.s32 $0x70000, s6;
	s29 =	simm.s32 $0x2000;
	_ =	swait.ge [sflag:s18], $0x4000  }
.LBB2_2:
0x58: {  	s2 =	simm.s32 @!p1 $0x6  }
0x59: {  	[sflag:s18] =	ssyncset.done $0x0;
	s31 =	smov.u32 s29;
	s29 =	sadd.s32 $0x1000, s29  }
0x5a: {  	s7 =	sadd.s32 $0x70000, s30;
	p0 =	sne.s32 s29, $0x19000;
	[sflag:s18] =	ssyncadd.s32 $0xFFFFC000  }
0x5b: {  	[hbm4b:s28+s3] =	stream.linear.scatter [tilespmem:s14], [sflag:$0x8], $0x4000, $0x38;
	[tilespmem:$0x16400] =	vst v63  }
0x5c: {  	s0 =	sshra.s32 s25, $0x2;
	s28 =	smov.u32 s24;
	_ =	swait.ge @!p1 [sflag:s2], $0x4000  }
0x5d: {  	s8 =	sadd.s32 $0x80, s0;
	s24 =	smov.u32 s7;
	[sflag:s2] =	ssyncset.done @!p1 $0x0  }
0x5e: {  	[sflag:s2] =	ssyncadd.s32 @!p1 $0xFFFFC000  }
0x5f: {  	[tilespmem:s12], [sflag:$0x2] =	stream.indirect.gather [hbm4b:s1+s10], $0x80, s8, s10, $0xb8;
	[tilespmem:$0x16400] =	vst v63  }
0x60: {  	_ =	swait.ge [sflag:s13], $0x4000  }
0x61: {  	s7 =	simm.s32 @p1 $0x2;
	s2 =	sshra.s32 @p1 s25, $0x2;
	[sflag:s13] =	ssyncset.done $0x0  }
0x62: {  	s2 =	sadd.s32 @p1 $0x100, s2;
	[sflag:s13] =	ssyncadd.s32 $0xFFFFC000  }
0x63: {  	[hbm4b:s26+s3] =	stream.linear.scatter [tilespmem:s11], [sflag:$0x5], $0x4000, $0x38;
	[tilespmem:$0x16400] =	vst v63  }
0x64: {  	s4 =	simm.s32 @p1 $0xE400;
	s8 =	simm.s32 @p1 $0x80  }
0x65: {  	[tilespmem:s4], [sflag:$0x3] =	stream.indirect.gather @p1 [hbm4b:s1+s8], $0x80, s2, s8, $0xb8;
	[tilespmem:$0x16400] =	vst v63  }
0x66: {  	s2 =	simm.s32 @p1 $0xA400;
	s4 =	simm.s32 @!p1 $0x7;
	_ =	swait.ge @p1 [sflag:s7], $0x4000  }
0x67: {  	s5 =	simm.s32 @p1 $0x0;
	s8 =	sadd.s32 @p1 $0x10000, s26;
	[sflag:s7] =	ssyncset.done @p1 $0x0  }
0x68: {  	[sflag:s7] =	ssyncadd.s32 @p1 $0xFFFFC000  }
0x69: {  	[hbm4b:s8+s5] =	stream.linear.scatter @p1 [tilespmem:s2], [sflag:$0x6], $0x4000, $0x38;
	[tilespmem:$0x16400] =	vst v63  }
0x6a: {  	s2 =	sshra.s32 @!p1 s25, $0x2;
	s5 =	simm.s32 @!p1 $0xE400;
	_ =	swait.ge @!p1 [sflag:s4], $0x4000  }
0x6b: {  	s7 =	simm.s32 @!p1 $0x80;
	s2 =	sadd.s32 @!p1 $0x100, s2;
	[sflag:s4] =	ssyncset.done @!p1 $0x0  }
0x6c: {  	[sflag:s4] =	ssyncadd.s32 @!p1 $0xFFFFC000;
	s4 =	simm.s32 @!p1 $0x2  }
0x6d: {  	[tilespmem:s5], [sflag:$0x3] =	stream.indirect.gather @!p1 [hbm4b:s1+s7], $0x80, s2, s7, $0xb8;
	[tilespmem:$0x16400] =	vst v63  }
0x6e: {  	s2 =	simm.s32 @!p1 $0xA400;
	s5 =	simm.s32 @!p1 $0x8;
	_ =	swait.ge @!p1 [sflag:s4], $0x4000  }
0x6f: {  	s8 =	simm.s32 @!p1 $0x0;
	s7 =	sadd.s32 @!p1 $0x10000, s26;
	[sflag:s4] =	ssyncset.done @!p1 $0x0  }
0x70: {  	[sflag:s4] =	ssyncadd.s32 @!p1 $0xFFFFC000  }
0x71: {  	[hbm4b:s7+s8] =	stream.linear.scatter @!p1 [tilespmem:s2], [sflag:$0x6], $0x4000, $0x38;
	[tilespmem:$0x16400] =	vst v63  }
0x72: {  	_ =	swait.ge @!p1 [sflag:s5], $0x4000  }
0x73: {  	s2 =	sadd.s32 $0x180, s0;
	[sflag:s5] =	ssyncset.done @!p1 $0x0  }
0x74: {  	[sflag:s5] =	ssyncadd.s32 @!p1 $0xFFFFC000  }
0x75: {  	[tilespmem:s14], [sflag:$0x4] =	stream.indirect.gather [hbm4b:s1+s10], $0x80, s2, s10, $0xb8;
	[tilespmem:$0x16400] =	vst v63  }
0x76: {  	_ =	swait.ge [sflag:s15], $0x4000  }
0x77: {  	s2 =	sadd.s32 $0x20000, s26;
	[sflag:s15] =	ssyncset.done $0x0  }
0x78: {  	[sflag:s15] =	ssyncadd.s32 $0xFFFFC000  }
0x79: {  	[hbm4b:s2+s3] =	stream.linear.scatter [tilespmem:s16], [sflag:$0x7], $0x4000, $0x38;
	[tilespmem:$0x16400] =	vst v63  }
0x7a: {  	_ =	swait.ge [sflag:s17], $0x4000  }
0x7b: {  	s2 =	sadd.s32 $0x200, s0;
	[sflag:s17] =	ssyncset.done $0x0  }
0x7c: {  	[sflag:s17] =	ssyncadd.s32 $0xFFFFC000  }
0x7d: {  	[tilespmem:s11], [sflag:$0x1] =	stream.indirect.gather [hbm4b:s1+s10], $0x80, s2, s10, $0xb8;
	[tilespmem:$0x16400] =	vst v63  }
0x7e: {  	_ =	swait.ge [sflag:s18], $0x4000  }
0x7f: {  	s2 =	sadd.s32 $0x30000, s26;
	[sflag:s18] =	ssyncset.done $0x0  }
0x80: {  	[sflag:s18] =	ssyncadd.s32 $0xFFFFC000  }
0x81: {  	[hbm4b:s2+s3] =	stream.linear.scatter [tilespmem:s14], [sflag:$0x8], $0x4000, $0x38;
	[tilespmem:$0x16400] =	vst v63  }
0x82: {  	_ =	swait.ge [sflag:s19], $0x4000  }
0x83: {  	s2 =	sadd.s32 $0x280, s0;
	[sflag:s19] =	ssyncset.done $0x0  }
0x84: {  	[sflag:s19] =	ssyncadd.s32 $0xFFFFC000  }
0x85: {  	[tilespmem:s12], [sflag:$0x2] =	stream.indirect.gather [hbm4b:s1+s10], $0x80, s2, s10, $0xb8;
	[tilespmem:$0x16400] =	vst v63  }
0x86: {  	_ =	swait.ge [sflag:s13], $0x4000  }
0x87: {  	s2 =	sadd.s32 $0x40000, s26;
	[sflag:s13] =	ssyncset.done $0x0  }
0x88: {  	[sflag:s13] =	ssyncadd.s32 $0xFFFFC000  }
0x89: {  	[hbm4b:s2+s3] =	stream.linear.scatter [tilespmem:s11], [sflag:$0x5], $0x4000, $0x38;
	[tilespmem:$0x16400] =	vst v63  }
0x8a: {  	_ =	swait.ge [sflag:s20], $0x4000  }
0x8b: {  	s2 =	sadd.s32 $0x300, s0;
	[sflag:s20] =	ssyncset.done $0x0  }
0x8c: {  	[sflag:s20] =	ssyncadd.s32 $0xFFFFC000  }
0x8d: {  	[tilespmem:s16], [sflag:$0x3] =	stream.indirect.gather [hbm4b:s1+s10], $0x80, s2, s10, $0xb8;
	[tilespmem:$0x16400] =	vst v63  }
0x8e: {  	_ =	swait.ge [sflag:s21], $0x4000  }
0x8f: {  	s2 =	sadd.s32 $0x50000, s26;
	[sflag:s21] =	ssyncset.done $0x0  }
0x90: {  	[sflag:s21] =	ssyncadd.s32 $0xFFFFC000  }
0x91: {  	[hbm4b:s2+s3] =	stream.linear.scatter [tilespmem:s12], [sflag:$0x6], $0x4000, $0x38;
	[tilespmem:$0x16400] =	vst v63  }
0x92: {  	_ =	swait.ge [sflag:s22], $0x4000  }
0x93: {  	s0 =	sadd.s32 $0x380, s0;
	[sflag:s22] =	ssyncset.done $0x0  }
0x94: {  	[sflag:s22] =	ssyncadd.s32 $0xFFFFC000  }
0x95: {  	[tilespmem:s14], [sflag:$0x4] =	stream.indirect.gather [hbm4b:s1+s10], $0x80, s0, s10, $0xb8;
	[tilespmem:$0x16400] =	vst v63  }
0x96: {  	_ =	swait.ge [sflag:s15], $0x4000  }
0x97: {  	p1 =	seq.s32 s25, $0x18000;
	s0 =	sadd.s32 $0x60000, s26;
	[sflag:s15] =	ssyncset.done $0x0  }
0x98: {  	s4 =	sshra.s32 @!p1 s25, $0x2;
	s2 =	simm.s32 @!p1 $0x5;
	[sflag:s15] =	ssyncadd.s32 $0xFFFFC000  }
0x99: {  	[hbm4b:s0+s3] =	stream.linear.scatter [tilespmem:s16], [sflag:$0x7], $0x4000, $0x38;
	[tilespmem:$0x16400] =	vst v63  }
.Ltmp0:
0x9a: {  	s0 =	sadd.s32 @!p1 $0x400, s4;
	_ =	swait.ge @!p1 [sflag:s2], $0x4000;
	(pc) =	sbr.rel @p0 .LBB2_2-.Ltmp0, $4  }
0x9b: {  	s5 =	simm.s32 @!p1 $0x6400;
	s4 =	simm.s32 @!p1 $0x80;
	[sflag:s2] =	ssyncset.done @!p1 $0x0  }
0x9c: {  	s25 =	smov.u32 s31;
	s26 =	smov.u32 s30;
	[sflag:s2] =	ssyncadd.s32 @!p1 $0xFFFFC000  }
0x9d: {  	[tilespmem:s5], [sflag:$0x1] =	stream.indirect.gather @!p1 [hbm4b:s1+s4], $0x80, s0, s4, $0xb8;
	[tilespmem:$0x16400] =	vst v63  }
0x9e: {  	s30 =	sadd.s32 $0x80000, s30;
	p1 =	seq.s32 s25, $0x0;
	_ =	swait.ge [sflag:s18], $0x4000  }
0x9f: {  	[sflag:s18] =	ssyncset.done $0x0  }
0xa0: {  	s2 =	simm.s32 @!p1 $0x6;
	[sflag:s18] =	ssyncadd.s32 $0xFFFFC000  }
0xa1: {  	[hbm4b:s28+s3] =	stream.linear.scatter [tilespmem:s14], [sflag:$0x8], $0x4000, $0x38;
	[tilespmem:$0x16400] =	vst v63  }
0xa2: {  	_ =	swait.ge @!p1 [sflag:s2], $0x4000  }
0xa3: {  	s0 =	sshra.s32 s25, $0x2;
	[sflag:s2] =	ssyncset.done @!p1 $0x0  }
0xa4: {  	s4 =	sadd.s32 $0x80, s0;
	[sflag:s2] =	ssyncadd.s32 @!p1 $0xFFFFC000  }
0xa5: {  	[tilespmem:s12], [sflag:$0x2] =	stream.indirect.gather [hbm4b:s1+s10], $0x80, s4, s10, $0xb8;
	[tilespmem:$0x16400] =	vst v63  }
0xa6: {  	_ =	swait.ge [sflag:s13], $0x4000  }
0xa7: {  	[sflag:s13] =	ssyncset.done $0x0  }
0xa8: {  	s5 =	simm.s32 @p1 $0x80;
	s2 =	sshra.s32 @p1 s25, $0x2;
	[sflag:s13] =	ssyncadd.s32 $0xFFFFC000  }
0xa9: {  	[hbm4b:s26+s3] =	stream.linear.scatter [tilespmem:s11], [sflag:$0x5], $0x4000, $0x38;
	[tilespmem:$0x16400] =	vst v63  }
0xaa: {  	s7 =	simm.s32 @p1 $0xE400;
	s4 =	simm.s32 @p1 $0x2;
	s2 =	sadd.s32 @p1 $0x100, s2  }
0xab: {  	[tilespmem:s7], [sflag:$0x3] =	stream.indirect.gather @p1 [hbm4b:s1+s5], $0x80, s2, s5, $0xb8;
	[tilespmem:$0x16400] =	vst v63  }
0xac: {  	_ =	swait.ge @p1 [sflag:s4], $0x4000  }
0xad: {  	s8 =	simm.s32 @p1 $0x0;
	s2 =	simm.s32 @p1 $0xA400;
	[sflag:s4] =	ssyncset.done @p1 $0x0  }
0xae: {  	s5 =	simm.s32 @!p1 $0x7;
	s7 =	sadd.s32 @p1 $0x10000, s26;
	[sflag:s4] =	ssyncadd.s32 @p1 $0xFFFFC000  }
0xaf: {  	[hbm4b:s7+s8] =	stream.linear.scatter @p1 [tilespmem:s2], [sflag:$0x6], $0x4000, $0x38;
	[tilespmem:$0x16400] =	vst v63  }
0xb0: {  	s4 =	simm.s32 @!p1 $0xE400;
	_ =	swait.ge @!p1 [sflag:s5], $0x4000  }
0xb1: {  	s2 =	sshra.s32 @!p1 s25, $0x2;
	s7 =	simm.s32 @!p1 $0x80;
	[sflag:s5] =	ssyncset.done @!p1 $0x0  }
0xb2: {  	s2 =	sadd.s32 @!p1 $0x100, s2;
	[sflag:s5] =	ssyncadd.s32 @!p1 $0xFFFFC000;
	s5 =	simm.s32 @!p1 $0x2  }
0xb3: {  	[tilespmem:s4], [sflag:$0x3] =	stream.indirect.gather @!p1 [hbm4b:s1+s7], $0x80, s2, s7, $0xb8;
	[tilespmem:$0x16400] =	vst v63  }
0xb4: {  	_ =	swait.ge @!p1 [sflag:s5], $0x4000  }
0xb5: {  	s8 =	simm.s32 @!p1 $0x0;
	s2 =	simm.s32 @!p1 $0xA400;
	[sflag:s5] =	ssyncset.done @!p1 $0x0  }
0xb6: {  	s4 =	simm.s32 @!p1 $0x8;
	s7 =	sadd.s32 @!p1 $0x10000, s26;
	[sflag:s5] =	ssyncadd.s32 @!p1 $0xFFFFC000  }
0xb7: {  	[hbm4b:s7+s8] =	stream.linear.scatter @!p1 [tilespmem:s2], [sflag:$0x6], $0x4000, $0x38;
	[tilespmem:$0x16400] =	vst v63  }
0xb8: {  	_ =	swait.ge @!p1 [sflag:s4], $0x4000  }
0xb9: {  	[sflag:s4] =	ssyncset.done @!p1 $0x0  }
0xba: {  	s30 =	sadd.s32 $0x180, s0;
	[sflag:s4] =	ssyncadd.s32 @!p1 $0xFFFFC000  }
0xbb: {  	[tilespmem:s14], [sflag:$0x4] =	stream.indirect.gather [hbm4b:s1+s10], $0x80, s30, s10, $0xb8;
	[tilespmem:$0x16400] =	vst v63  }
0xbc: {  	_ =	swait.ge [sflag:s15], $0x4000  }
0xbd: {  	[sflag:s15] =	ssyncset.done $0x0  }
0xbe: {  	s31 =	sadd.s32 $0x20000, s26;
	[sflag:s15] =	ssyncadd.s32 $0xFFFFC000  }
0xbf: {  	[hbm4b:s31+s3] =	stream.linear.scatter [tilespmem:s16], [sflag:$0x7], $0x4000, $0x38;
	[tilespmem:$0x16400] =	vst v63  }
0xc0: {  	_ =	swait.ge [sflag:s17], $0x4000  }
0xc1: {  	[sflag:s17] =	ssyncset.done $0x0  }
0xc2: {  	s4 =	sadd.s32 $0x200, s0;
	[sflag:s17] =	ssyncadd.s32 $0xFFFFC000  }
0xc3: {  	[tilespmem:s11], [sflag:$0x1] =	stream.indirect.gather [hbm4b:s1+s10], $0x80, s4, s10, $0xb8;
	[tilespmem:$0x16400] =	vst v63  }
0xc4: {  	_ =	swait.ge [sflag:s18], $0x4000  }
0xc5: {  	[sflag:s18] =	ssyncset.done $0x0  }
0xc6: {  	s5 =	sadd.s32 $0x30000, s26;
	[sflag:s18] =	ssyncadd.s32 $0xFFFFC000  }
0xc7: {  	[hbm4b:s5+s3] =	stream.linear.scatter [tilespmem:s14], [sflag:$0x8], $0x4000, $0x38;
	[tilespmem:$0x16400] =	vst v63  }
0xc8: {  	_ =	swait.ge [sflag:s19], $0x4000  }
0xc9: {  	[sflag:s19] =	ssyncset.done $0x0  }
0xca: {  	s7 =	sadd.s32 $0x280, s0;
	[sflag:s19] =	ssyncadd.s32 $0xFFFFC000  }
0xcb: {  	[tilespmem:s12], [sflag:$0x2] =	stream.indirect.gather [hbm4b:s1+s10], $0x80, s7, s10, $0xb8;
	[tilespmem:$0x16400] =	vst v63  }
0xcc: {  	_ =	swait.ge [sflag:s13], $0x4000  }
0xcd: {  	[sflag:s13] =	ssyncset.done $0x0  }
0xce: {  	s8 =	sadd.s32 $0x40000, s26;
	[sflag:s13] =	ssyncadd.s32 $0xFFFFC000  }
0xcf: {  	[hbm4b:s8+s3] =	stream.linear.scatter [tilespmem:s11], [sflag:$0x5], $0x4000, $0x38;
	[tilespmem:$0x16400] =	vst v63  }
0xd0: {  	_ =	swait.ge [sflag:s20], $0x4000  }
0xd1: {  	[sflag:s20] =	ssyncset.done $0x0  }
0xd2: {  	s28 =	sadd.s32 $0x300, s0;
	[sflag:s20] =	ssyncadd.s32 $0xFFFFC000  }
0xd3: {  	[tilespmem:s16], [sflag:$0x3] =	stream.indirect.gather [hbm4b:s1+s10], $0x80, s28, s10, $0xb8;
	[tilespmem:$0x16400] =	vst v63  }
0xd4: {  	_ =	swait.ge [sflag:s21], $0x4000  }
0xd5: {  	[sflag:s21] =	ssyncset.done $0x0  }
0xd6: {  	s29 =	sadd.s32 $0x50000, s26;
	[sflag:s21] =	ssyncadd.s32 $0xFFFFC000  }
0xd7: {  	[hbm4b:s29+s3] =	stream.linear.scatter [tilespmem:s12], [sflag:$0x6], $0x4000, $0x38;
	[tilespmem:$0x16400] =	vst v63  }
0xd8: {  	_ =	swait.ge [sflag:s22], $0x4000  }
0xd9: {  	[sflag:s22] =	ssyncset.done $0x0  }
0xda: {  	s0 =	sadd.s32 $0x380, s0;
	[sflag:s22] =	ssyncadd.s32 $0xFFFFC000  }
0xdb: {  	[tilespmem:s14], [sflag:$0x4] =	stream.indirect.gather [hbm4b:s1+s10], $0x80, s0, s10, $0xb8;
	[tilespmem:$0x16400] =	vst v63  }
0xdc: {  	_ =	swait.ge [sflag:s15], $0x4000  }
0xdd: {  	p0 =	seq.s32 s25, $0x18000;
	[sflag:s15] =	ssyncset.done $0x0  }
0xde: {  	s2 =	simm.s32 @!p0 $0x5;
	s30 =	sadd.s32 $0x60000, s26;
	[sflag:s15] =	ssyncadd.s32 $0xFFFFC000  }
0xdf: {  	[hbm4b:s30+s3] =	stream.linear.scatter [tilespmem:s16], [sflag:$0x7], $0x4000, $0x38;
	[tilespmem:$0x16400] =	vst v63  }
0xe0: {  	_ =	swait.ge @!p0 [sflag:s2], $0x4000  }
0xe1: {  	s4 =	simm.s32 @!p0 $0x80;
	s0 =	sshra.s32 @!p0 s25, $0x2;
	[sflag:s2] =	ssyncset.done @!p0 $0x0  }
0xe2: {  	s5 =	simm.s32 @!p0 $0x6400;
	s0 =	sadd.s32 @!p0 $0x400, s0;
	[sflag:s2] =	ssyncadd.s32 @!p0 $0xFFFFC000  }
0xe3: {  	[tilespmem:s5], [sflag:$0x1] =	stream.indirect.gather @!p0 [hbm4b:s1+s4], $0x80, s0, s4, $0xb8;
	[tilespmem:$0x16400] =	vst v63  }
0xe4: {  	_ =	swait.ge [sflag:s18], $0x4000  }
0xe5: {  	[sflag:s18] =	ssyncset.done $0x0  }
0xe6: {  	[sflag:s18] =	ssyncadd.s32 $0xFFFFC000  }
0xe7: {  	[hbm4b:s24+s3] =	stream.linear.scatter [tilespmem:s14], [sflag:$0x8], $0x4000, $0x38;
	[tilespmem:$0x16400] =	vst v63  }
0xe8: {  	_ =	swait.ge [sflag:s17], $0x4000  }
0xe9: {  	[sflag:s17] =	ssyncset.done $0x0  }
0xea: {  	[sflag:s17] =	ssyncadd.s32 $0xFFFFC000  }
0xeb: {  	_ =	swait.ge [sflag:s19], $0x4000  }
0xec: {  	[sflag:s19] =	ssyncset.done $0x0  }
0xed: {  	[sflag:s19] =	ssyncadd.s32 $0xFFFFC000  }
0xee: {  	_ =	swait.ge [sflag:s20], $0x4000  }
0xef: {  	[sflag:s20] =	ssyncset.done $0x0  }
0xf0: {  	[sflag:s20] =	ssyncadd.s32 $0xFFFFC000  }
0xf1: {  	_ =	swait.ge [sflag:s22], $0x4000  }
0xf2: {  	s23 =	sadd.s32 $0x1, s23;
	s31 =	rddreg [dreg:$0x5]  }
0xf3: {  	p0 =	sne.s32 s23, s31  }
.Ltmp1:
0xf4: {  	_ = 	snop;
	(pc) =	sbr.rel @p0 .LBB2_1-.Ltmp1, $3  }
0xf5: {  	_ =	sdelay $0x1  }
0xf6: {  	[sflag:s22] =	ssyncset.done $0x0  }
0xf7: {  	[sflag:s22] =	ssyncadd.s32 $0xFFFFC000  }
0xf8: {  	_ =	sfence.sel $0x180000  }
0xf9: {  	[bflag:$0x0] =	sbarrier.arrive $0xFFFF  }
0xfa: {  	_ =	strace $0x90000047  }
0xfb: {  	s0 =	stileid.u32;
	[bflag:$0x2] =	sbarrier.arrive $0xFFFF  }
0xfc: {  	p0 =	sne.s32 s0, $0x0;
	s0 =	rddreg [dreg:$0x3]  }
0xfd: {  	s0 =	sadd.s32 @!p0 $0x100000, s0  }
0xfe: {  	[sflag:s0] =	ssyncadd.tile.s32 @!p0 $0x1;
	_ =	shalt  }
.Lfunc_end2:
_tile_overlayer_lowered:
.L_overlay_start_2:
0xff: {  	(tag) =	ssettag $0x2  }
0x100: {  	s0 =	rddreg [dreg:$0x0];
	s2 =	stileid.u32  }
0x101: {  	s1 =	rddreg [dreg:$0x1];
	p0 =	sne.s32 s2, $0x0  }
0x102: {  	s3 =	rddreg [dreg:$0x2];
	[bflag:$0x3] =	sbarrier.arrive $0xFFFF;
	s2 =	simm.s32 @!p0 $0x1C09  }
0x103: {  	[timem:s3], [sflag:s2] =	dma.local @!p0 [hbm:s0], s1  }
0x104: {  	s0 =	simm.s32 @!p0 $0x9  }
0x105: {  	_ =	swait.ge @!p0 [sflag:s0], s1  }
0x106: {  	s1 =	ssub.s32 @!p0 $0x0, s1;
	[sflag:s0] =	ssyncset.done @!p0 $0x0  }
0x107: {  	[sflag:s0] =	ssyncadd.s32 @!p0 s1  }
0x108: {  	[bflag:$0x3] =	sbarrier.arrive $0xFFFF  }
0x109: {  	_ =	shalt  }

</sc_bundles>
